<compile_context>
chip_gen: v7x
topology: tpu7x:2x2x1
jax: 0.10.2.dev20260603
libtpu: 0.0.44.dev20260713+nightly
codegen_flags: <defaults>
</compile_context>

<pallas_src>
import functools

import jax
import jax.numpy as jnp
from jax import lax
from jax.experimental import pallas as pl
from jax.experimental.pallas import tpu as pltpu
from jax.experimental.pallas import tpu_sc as plsc

_D = 64
_HID = 128
_NVT = 10000
_OFFN = 10240
_LN10_INV = 0.4342944819032518
_NW = 32
_B = 4096
_L = 200
_KB = 2
_C = _KB * _L
_NBUF = 4
_ROWS_PER_W = _B // _NW
_NCH = _ROWS_PER_W // _KB


def _off_body(vals_ref, mask_ref, w1_ref, b1_ref, w2_ref, b2_ref, out_ref):
    x = jnp.log(jnp.maximum(vals_ref[...], 1e-16)) * _LN10_INV
    h = jnp.maximum(x * w1_ref[...] + b1_ref[...], 0.0)
    off = jnp.dot(h, w2_ref[...], preferred_element_type=jnp.float32)
    out_ref[...] = (off + b2_ref[...]) * mask_ref[...]


@functools.lru_cache(maxsize=None)
def _make_off_table():
    R = 2048
    grid = _OFFN // R
    return pl.pallas_call(
        _off_body,
        grid=(grid,),
        in_specs=[
            pl.BlockSpec((R, 1), lambda i: (i, 0)),
            pl.BlockSpec((R, 1), lambda i: (i, 0)),
            pl.BlockSpec((1, _HID), lambda i: (0, 0)),
            pl.BlockSpec((1, _HID), lambda i: (0, 0)),
            pl.BlockSpec((_HID, _D), lambda i: (0, 0)),
            pl.BlockSpec((1, _D), lambda i: (0, 0)),
        ],
        out_specs=pl.BlockSpec((R, _D), lambda i: (i, 0)),
        out_shape=jax.ShapeDtypeStruct((_OFFN, _D), jnp.float32),
    )


def _sc_body(ids_hbm, table_hbm, off_hbm, out_hbm, *scratch):
    idx = scratch[0:_NBUF]
    idx2 = scratch[_NBUF:2 * _NBUF]
    rows = scratch[2 * _NBUF:3 * _NBUF]
    semg = scratch[3 * _NBUF:4 * _NBUF]
    sema = scratch[4 * _NBUF:5 * _NBUF]
    semw = scratch[5 * _NBUF:6 * _NBUF]

    wid = lax.axis_index("s") * 2 + lax.axis_index("c")
    row_base = wid * _ROWS_PER_W

    def row0(g):
        return row_base + g * _KB

    def stage_a(g, b):
        tok0 = row0(g) * _L
        pltpu.sync_copy(ids_hbm.at[pl.ds(tok0, _C)], idx[b])

        def clamp_body(i, carry):
            sl = pl.ds(i * 16, 16)
            v = idx[b][sl]
            idx2[b][sl] = jnp.where(v < _NVT, v, -1)
            return carry

        lax.fori_loop(0, _C // 16, clamp_body, 0)
        pltpu.async_copy(table_hbm.at[idx[b]], rows[b], semg[b])

    def wait_base(b):
        pltpu.make_async_copy(table_hbm.at[idx[b]], rows[b], semg[b]).wait()

    def stage_b(b):
        wait_base(b)
        pltpu.async_copy(
            off_hbm.at[plsc.Indices(idx2[b], ignored_value=-1)], rows[b],
            sema[b], add=True)

    def wait_add(b):
        pltpu.make_async_copy(
            off_hbm.at[plsc.Indices(idx2[b], ignored_value=-1)], rows[b],
            sema[b]).wait()

    def stage_c(g, b):
        wait_add(b)
        for j in range(_KB):
            pltpu.async_copy(
                rows[b].at[pl.ds(j * _L, _L)], out_hbm.at[row0(g) + j], semw[b])

    def wait_write(g, b):
        for j in range(_KB):
            pltpu.make_async_copy(
                rows[b].at[pl.ds(j * _L, _L)], out_hbm.at[row0(g) + j],
                semw[b]).wait()

    stage_a(0, 0)
    stage_a(1, 1)
    stage_b(0)
    stage_a(2, 2)
    stage_b(1)
    stage_c(0, 0)
    stage_a(3, 3)
    stage_b(2)
    stage_c(1, 1)

    def loop_body(i, carry):
        for b in range(_NBUF):
            g = 4 * i + b
            wait_write(g - 4, b)
            stage_a(g, b)
            stage_b((b - 1) % _NBUF)
            stage_c(g - 2, (b - 2) % _NBUF)
        return carry

    lax.fori_loop(1, _NCH // _NBUF, loop_body, 0)

    stage_b((_NCH - 1) % _NBUF)
    stage_c(_NCH - 2, (_NCH - 2) % _NBUF)
    stage_c(_NCH - 1, (_NCH - 1) % _NBUF)
    for g in range(_NCH - 4, _NCH):
        wait_write(g, g % _NBUF)


@functools.lru_cache(maxsize=None)
def _make_sc_gather_add():
    mesh = plsc.VectorSubcoreMesh(core_axis_name="c", subcore_axis_name="s")
    scratch = (
        [pltpu.VMEM((_C,), jnp.int32) for _ in range(_NBUF)]
        + [pltpu.VMEM((_C,), jnp.int32) for _ in range(_NBUF)]
        + [pltpu.VMEM((_C, _D), jnp.float32) for _ in range(_NBUF)]
        + [pltpu.SemaphoreType.DMA for _ in range(3 * _NBUF)]
    )
    return functools.partial(
        pl.kernel,
        mesh=mesh,
        compiler_params=pltpu.CompilerParams(use_tc_tiling_on_sc=False),
        out_type=jax.ShapeDtypeStruct((_B, _L, _D), jnp.float32),
        scratch_types=scratch,
    )(_sc_body)


def kernel(input_ids, table, W1, b1, W2, b2, value_lookup, is_value_token):
    ids = input_ids.reshape(-1).astype(jnp.int32)
    vals = value_lookup[:_OFFN].reshape(_OFFN, 1)
    maskf = is_value_token[:_OFFN].astype(jnp.float32).reshape(_OFFN, 1)
    off_table = _make_off_table()(
        vals, maskf, W1, b1.reshape(1, _HID), W2, b2.reshape(1, _D))
    return _make_sc_gather_add()(ids, table, off_table)

# --- scband reference (transcript-rebuilt; emitter-appended) ---
"""Pipeline reference for scband-value-aware-embedding-90701119357772 (READ-ONLY COPY).

The authoritative reference and input builder live on the scoring server;
editing this copy changes nothing except your own understanding.
"""

import jax, jax.numpy as jnp
import numpy as np

VOCAB = 1000000
D_MODEL = 64
HIDDEN = 128
BATCH = 4096
SEQ = 200
N_VALUE_TOKENS = 10000  # token ids 0..9999 are <VAL_xxx> tokens; token_to_value[i] = float(i + 1)


def setup_inputs(seed: int = 0) -> dict:
    key = jax.random.key(seed)
    ks = jax.random.split(key, 6)
    input_ids = jax.random.randint(ks[0], (BATCH, SEQ), 0, VOCAB)
    table = jax.random.normal(ks[1], (VOCAB, D_MODEL), dtype=jnp.float32) * 0.02
    # MLP: Linear(1 -> HIDDEN), ReLU, Linear(HIDDEN -> D_MODEL)
    W1 = jax.random.normal(ks[2], (1, HIDDEN), dtype=jnp.float32) * 1.0
    b1 = jnp.zeros((HIDDEN,), dtype=jnp.float32)
    W2 = jax.random.normal(ks[3], (HIDDEN, D_MODEL), dtype=jnp.float32) * (1.0 / np.sqrt(HIDDEN))
    b2 = jnp.zeros((D_MODEL,), dtype=jnp.float32)
    # buffers built from token_to_value = {i: float(i+1) for i in range(N_VALUE_TOKENS)}
    vals = jnp.arange(1, N_VALUE_TOKENS + 1, dtype=jnp.float32)
    value_lookup = jnp.zeros((VOCAB,), dtype=jnp.float32).at[:N_VALUE_TOKENS].set(vals)
    is_value_token = jnp.zeros((VOCAB,), dtype=bool).at[:N_VALUE_TOKENS].set(True)
    return {
        "input_ids": input_ids,
        "table": table,
        "W1": W1,
        "b1": b1,
        "W2": W2,
        "b2": b2,
        "value_lookup": value_lookup,
        "is_value_token": is_value_token,
    }


def reference(input_ids, table, W1, b1, W2, b2, value_lookup, is_value_token):
    # base = self.base_embedding(input_ids)
    base = jnp.take(table, input_ids, axis=0)  # [B, L, D]
    # mask = self.is_value_token[input_ids]
    mask = jnp.take(is_value_token, input_ids, axis=0)  # [B, L] bool
    # vals = self.value_lookup[input_ids]
    vals = jnp.take(value_lookup, input_ids, axis=0)  # [B, L]
    # torch gates with mask.any() and boolean indexing; math-equivalent dense form:
    x = jnp.log10(jnp.maximum(vals[..., None], 1e-16))  # [B, L, 1]
    h = jax.nn.relu(x @ W1 + b1)  # [B, L, HIDDEN]
    val_vec = h @ W2 + b2  # [B, L, D]
    offset = jnp.where(mask[..., None], val_vec, 0.0)
    return base + offset

if __name__ == "__main__":
    import jax
    _d = setup_inputs()
    print(jax.jit(kernel)(*tuple(_d.values())))

</pallas_src>

<mosaic_0001>
#map = affine_map<(d0, d1) -> (0)>
#map1 = affine_map<(d0, d1) -> (0, 0)>
#map2 = affine_map<(d0, d1) -> (0, 0, 0)>
module attributes {stable_mosaic.version = 14 : i64} {
  func.func @_sc_body(%arg0: i32, %arg1: i32, %arg2: memref<819200xi32, #tpu.memory_space<hbm>>, %arg3: memref<1000000x64xf32, #tpu.memory_space<hbm>>, %arg4: memref<10240x64xf32, #tpu.memory_space<hbm>>, %arg5: memref<4096x200x64xf32, #tpu.memory_space<hbm>>, %arg6: memref<400xi32, #tpu.memory_space<vmem>>, %arg7: memref<400xi32, #tpu.memory_space<vmem>>, %arg8: memref<400xi32, #tpu.memory_space<vmem>>, %arg9: memref<400xi32, #tpu.memory_space<vmem>>, %arg10: memref<400xi32, #tpu.memory_space<vmem>>, %arg11: memref<400xi32, #tpu.memory_space<vmem>>, %arg12: memref<400xi32, #tpu.memory_space<vmem>>, %arg13: memref<400xi32, #tpu.memory_space<vmem>>, %arg14: memref<400x64xf32, #tpu.memory_space<vmem>>, %arg15: memref<400x64xf32, #tpu.memory_space<vmem>>, %arg16: memref<400x64xf32, #tpu.memory_space<vmem>>, %arg17: memref<400x64xf32, #tpu.memory_space<vmem>>, %arg18: memref<!tpu.dma_semaphore, #tpu.memory_space<semaphore_mem>>, %arg19: memref<!tpu.dma_semaphore, #tpu.memory_space<semaphore_mem>>, %arg20: memref<!tpu.dma_semaphore, #tpu.memory_space<semaphore_mem>>, %arg21: memref<!tpu.dma_semaphore, #tpu.memory_space<semaphore_mem>>, %arg22: memref<!tpu.dma_semaphore, #tpu.memory_space<semaphore_mem>>, %arg23: memref<!tpu.dma_semaphore, #tpu.memory_space<semaphore_mem>>, %arg24: memref<!tpu.dma_semaphore, #tpu.memory_space<semaphore_mem>>, %arg25: memref<!tpu.dma_semaphore, #tpu.memory_space<semaphore_mem>>, %arg26: memref<!tpu.dma_semaphore, #tpu.memory_space<semaphore_mem>>, %arg27: memref<!tpu.dma_semaphore, #tpu.memory_space<semaphore_mem>>, %arg28: memref<!tpu.dma_semaphore, #tpu.memory_space<semaphore_mem>>, %arg29: memref<!tpu.dma_semaphore, #tpu.memory_space<semaphore_mem>>) attributes {dimension_semantics = [#tpu.dimension_semantics<core_parallel>, #tpu.dimension_semantics<subcore_parallel>], iteration_bounds = array<i64: 2, 16>, scalar_prefetch = 0 : i64, scratch_operands = 24 : i64, tpu.core_type = #tpu.core_type<sc_vector_subcore>, window_params = [{transform_indices = #map}, {transform_indices = #map1}, {transform_indices = #map1}, {transform_indices = #map2}]} {
    %mul3A = arith.constant 2 : i32
    %mul3A_0 = arith.muli %arg1, %mul3A : i32
    %add3A = arith.addi %mul3A_0, %arg0 : i32
    %mul3A_1 = arith.constant 128 : i32
    %mul3A_2 = arith.muli %add3A, %mul3A_1 : i32
    %add3A_3 = arith.constant 0 : i32
    %add3A_4 = arith.addi %mul3A_2, %add3A_3 : i32
    %mul3A_5 = arith.constant 200 : i32
    %mul3A_6 = arith.muli %add3A_4, %mul3A_5 : i32
    "tpu.region"() ({
      %run_scoped3A = tpu.sem_alloc : memref<!tpu.dma_semaphore, #tpu.memory_space<semaphore_mem>>
      %dma_start3A_386 = tpu.memref_slice %arg2[%mul3A_6] : memref<819200xi32, #tpu.memory_space<hbm>> -> memref<400xi32, #tpu.memory_space<hbm>>
      %dma_start3A_387 = tpu.memref_slice %arg2[%mul3A_6] : memref<819200xi32, #tpu.memory_space<hbm>> -> memref<400xi32, #tpu.memory_space<hbm>>
      tpu.enqueue_dma source(%dma_start3A_387 : memref<400xi32, #tpu.memory_space<hbm>>) target(%arg6 : memref<400xi32, #tpu.memory_space<vmem>>) target_semaphore(%run_scoped3A : memref<!tpu.dma_semaphore, #tpu.memory_space<semaphore_mem>>)
      %dma_wait3A_388 = tpu.memref_slice %arg2[%mul3A_6] : memref<819200xi32, #tpu.memory_space<hbm>> -> memref<400xi32, #tpu.memory_space<hbm>>
      %dma_wait3A_389 = tpu.memref_slice %arg2[%mul3A_6] : memref<819200xi32, #tpu.memory_space<hbm>> -> memref<400xi32, #tpu.memory_space<hbm>>
      tpu.wait_dma2 semaphore(%run_scoped3A : memref<!tpu.dma_semaphore, #tpu.memory_space<semaphore_mem>>) src(%dma_wait3A_389 : memref<400xi32, #tpu.memory_space<hbm>>) dst(%arg6 : memref<400xi32, #tpu.memory_space<vmem>>)
      tpu.yield
    }) : () -> ()
    %scan3A = arith.constant 0 : i32
    %scan3A_7 = arith.constant 0 : i32
    %scan3A_8 = arith.constant 25 : i32
    %scan3A_9 = arith.addi %scan3A_7, %scan3A_8 : i32
    %scan3A_10 = arith.constant 1 : i32
    scf.for %scan3A_386 = %scan3A_7 to %scan3A_9 step %scan3A_10  : i32 {
      %mul3A_387 = arith.constant 16 : i32
      %mul3A_388 = arith.muli %scan3A_386, %mul3A_387 : i32
      %get3A = arith.index_cast %mul3A_388 : i32 to index
      %get3A_389 = tpu.vector_load %arg6[%get3A] {strides = array<i32>} : memref<400xi32, #tpu.memory_space<vmem>>, vector<16xi32>,
      %get3A_390 = vector.shape_cast %get3A_389 : vector<16xi32> to vector<16xi32>
      %lt3A = arith.constant 10000 : i32
      %lt3A_391 = vector.broadcast %lt3A : i32 to vector<16xi32>
      %lt3A_392 = arith.cmpi slt, %get3A_390, %lt3A_391 : vector<16xi32>
      %jit3A = arith.constant -1 : i32
      %broadcast_in_dim3A = vector.broadcast %jit3A : i32 to vector<16xi32>
      %select_n3A = arith.select %lt3A_392, %get3A_390, %broadcast_in_dim3A : vector<16xi1>, vector<16xi32>
      %swap3A = arith.index_cast %mul3A_388 : i32 to index
      %swap3A_393 = tpu.vector_load %arg10[%swap3A] {strides = array<i32>} : memref<400xi32, #tpu.memory_space<vmem>>, vector<16xi32>,
      %swap3A_394 = vector.shape_cast %swap3A_393 : vector<16xi32> to vector<16xi32>
      %swap3A_395 = vector.shape_cast %select_n3A : vector<16xi32> to vector<16xi32>
      tpu.vector_store %arg10[%swap3A], %swap3A_395 {strides = array<i32>} : memref<400xi32, #tpu.memory_space<vmem>>, vector<16xi32>,
    }
    %scan3A_11 = arith.constant 25 : i32
    %dma_start3A = arith.constant 0 : i32
    %dma_start3A_12 = arith.constant 0 : i32
    %dma_start3A_13 = tpu.memref_slice %arg3[%dma_start3A, %dma_start3A_12] : memref<1000000x64xf32, #tpu.memory_space<hbm>> -> memref<1000000x64xf32, #tpu.memory_space<hbm>>
    tpu.enqueue_indirect_dma source(%dma_start3A_13 : memref<1000000x64xf32, #tpu.memory_space<hbm>>) target(%arg14 : memref<400x64xf32, #tpu.memory_space<vmem>>) offsets(%arg6 : memref<400xi32, #tpu.memory_space<vmem>>) semaphore(%arg18 : memref<!tpu.dma_semaphore, #tpu.memory_space<semaphore_mem>>)
    %add3A_14 = arith.constant 2 : i32
    %add3A_15 = arith.addi %mul3A_2, %add3A_14 : i32
    %mul3A_16 = arith.constant 200 : i32
    %mul3A_17 = arith.muli %add3A_15, %mul3A_16 : i32
    "tpu.region"() ({
      %run_scoped3A = tpu.sem_alloc : memref<!tpu.dma_semaphore, #tpu.memory_space<semaphore_mem>>
      %dma_start3A_386 = tpu.memref_slice %arg2[%mul3A_17] : memref<819200xi32, #tpu.memory_space<hbm>> -> memref<400xi32, #tpu.memory_space<hbm>>
      %dma_start3A_387 = tpu.memref_slice %arg2[%mul3A_17] : memref<819200xi32, #tpu.memory_space<hbm>> -> memref<400xi32, #tpu.memory_space<hbm>>
      tpu.enqueue_dma source(%dma_start3A_387 : memref<400xi32, #tpu.memory_space<hbm>>) target(%arg7 : memref<400xi32, #tpu.memory_space<vmem>>) target_semaphore(%run_scoped3A : memref<!tpu.dma_semaphore, #tpu.memory_space<semaphore_mem>>)
      %dma_wait3A_388 = tpu.memref_slice %arg2[%mul3A_17] : memref<819200xi32, #tpu.memory_space<hbm>> -> memref<400xi32, #tpu.memory_space<hbm>>
      %dma_wait3A_389 = tpu.memref_slice %arg2[%mul3A_17] : memref<819200xi32, #tpu.memory_space<hbm>> -> memref<400xi32, #tpu.memory_space<hbm>>
      tpu.wait_dma2 semaphore(%run_scoped3A : memref<!tpu.dma_semaphore, #tpu.memory_space<semaphore_mem>>) src(%dma_wait3A_389 : memref<400xi32, #tpu.memory_space<hbm>>) dst(%arg7 : memref<400xi32, #tpu.memory_space<vmem>>)
      tpu.yield
    }) : () -> ()
    %scan3A_18 = arith.constant 0 : i32
    %scan3A_19 = arith.constant 0 : i32
    %scan3A_20 = arith.constant 25 : i32
    %scan3A_21 = arith.addi %scan3A_19, %scan3A_20 : i32
    %scan3A_22 = arith.constant 1 : i32
    scf.for %scan3A_386 = %scan3A_19 to %scan3A_21 step %scan3A_22  : i32 {
      %mul3A_387 = arith.constant 16 : i32
      %mul3A_388 = arith.muli %scan3A_386, %mul3A_387 : i32
      %get3A = arith.index_cast %mul3A_388 : i32 to index
      %get3A_389 = tpu.vector_load %arg7[%get3A] {strides = array<i32>} : memref<400xi32, #tpu.memory_space<vmem>>, vector<16xi32>,
      %get3A_390 = vector.shape_cast %get3A_389 : vector<16xi32> to vector<16xi32>
      %lt3A = arith.constant 10000 : i32
      %lt3A_391 = vector.broadcast %lt3A : i32 to vector<16xi32>
      %lt3A_392 = arith.cmpi slt, %get3A_390, %lt3A_391 : vector<16xi32>
      %jit3A = arith.constant -1 : i32
      %broadcast_in_dim3A = vector.broadcast %jit3A : i32 to vector<16xi32>
      %select_n3A = arith.select %lt3A_392, %get3A_390, %broadcast_in_dim3A : vector<16xi1>, vector<16xi32>
      %swap3A = arith.index_cast %mul3A_388 : i32 to index
      %swap3A_393 = tpu.vector_load %arg11[%swap3A] {strides = array<i32>} : memref<400xi32, #tpu.memory_space<vmem>>, vector<16xi32>,
      %swap3A_394 = vector.shape_cast %swap3A_393 : vector<16xi32> to vector<16xi32>
      %swap3A_395 = vector.shape_cast %select_n3A : vector<16xi32> to vector<16xi32>
      tpu.vector_store %arg11[%swap3A], %swap3A_395 {strides = array<i32>} : memref<400xi32, #tpu.memory_space<vmem>>, vector<16xi32>,
    }
    %scan3A_23 = arith.constant 25 : i32
    %dma_start3A_24 = arith.constant 0 : i32
    %dma_start3A_25 = arith.constant 0 : i32
    %dma_start3A_26 = tpu.memref_slice %arg3[%dma_start3A_24, %dma_start3A_25] : memref<1000000x64xf32, #tpu.memory_space<hbm>> -> memref<1000000x64xf32, #tpu.memory_space<hbm>>
    tpu.enqueue_indirect_dma source(%dma_start3A_26 : memref<1000000x64xf32, #tpu.memory_space<hbm>>) target(%arg15 : memref<400x64xf32, #tpu.memory_space<vmem>>) offsets(%arg7 : memref<400xi32, #tpu.memory_space<vmem>>) semaphore(%arg19 : memref<!tpu.dma_semaphore, #tpu.memory_space<semaphore_mem>>)
    %dma_wait3A = arith.constant 0 : i32
    %dma_wait3A_27 = arith.constant 0 : i32
    %dma_wait3A_28 = tpu.memref_slice %arg3[%dma_wait3A, %dma_wait3A_27] : memref<1000000x64xf32, #tpu.memory_space<hbm>> -> memref<1000000x64xf32, #tpu.memory_space<hbm>>
    tpu.wait_indirect_dma semaphore(%arg18 : memref<!tpu.dma_semaphore, #tpu.memory_space<semaphore_mem>>) src(%dma_wait3A_28 : memref<1000000x64xf32, #tpu.memory_space<hbm>>) dst(%arg14 : memref<400x64xf32, #tpu.memory_space<vmem>>)
    %dma_start3A_29 = arith.constant 0 : i32
    %dma_start3A_30 = arith.constant 0 : i32
    %dma_start3A_31 = tpu.memref_slice %arg4[%dma_start3A_29, %dma_start3A_30] : memref<10240x64xf32, #tpu.memory_space<hbm>> -> memref<10240x64xf32, #tpu.memory_space<hbm>>
    %dma_start3A_32 = arith.constant -1 : i32
    tpu.enqueue_indirect_dma source(%dma_start3A_31 : memref<10240x64xf32, #tpu.memory_space<hbm>>) target(%arg14 : memref<400x64xf32, #tpu.memory_space<vmem>>) offsets(%arg10 : memref<400xi32, #tpu.memory_space<vmem>>) offset_filter(%dma_start3A_32) semaphore(%arg22 : memref<!tpu.dma_semaphore, #tpu.memory_space<semaphore_mem>>) {add = true}
    %add3A_33 = arith.constant 4 : i32
    %add3A_34 = arith.addi %mul3A_2, %add3A_33 : i32
    %mul3A_35 = arith.constant 200 : i32
    %mul3A_36 = arith.muli %add3A_34, %mul3A_35 : i32
    "tpu.region"() ({
      %run_scoped3A = tpu.sem_alloc : memref<!tpu.dma_semaphore, #tpu.memory_space<semaphore_mem>>
      %dma_start3A_386 = tpu.memref_slice %arg2[%mul3A_36] : memref<819200xi32, #tpu.memory_space<hbm>> -> memref<400xi32, #tpu.memory_space<hbm>>
      %dma_start3A_387 = tpu.memref_slice %arg2[%mul3A_36] : memref<819200xi32, #tpu.memory_space<hbm>> -> memref<400xi32, #tpu.memory_space<hbm>>
      tpu.enqueue_dma source(%dma_start3A_387 : memref<400xi32, #tpu.memory_space<hbm>>) target(%arg8 : memref<400xi32, #tpu.memory_space<vmem>>) target_semaphore(%run_scoped3A : memref<!tpu.dma_semaphore, #tpu.memory_space<semaphore_mem>>)
      %dma_wait3A_388 = tpu.memref_slice %arg2[%mul3A_36] : memref<819200xi32, #tpu.memory_space<hbm>> -> memref<400xi32, #tpu.memory_space<hbm>>
      %dma_wait3A_389 = tpu.memref_slice %arg2[%mul3A_36] : memref<819200xi32, #tpu.memory_space<hbm>> -> memref<400xi32, #tpu.memory_space<hbm>>
      tpu.wait_dma2 semaphore(%run_scoped3A : memref<!tpu.dma_semaphore, #tpu.memory_space<semaphore_mem>>) src(%dma_wait3A_389 : memref<400xi32, #tpu.memory_space<hbm>>) dst(%arg8 : memref<400xi32, #tpu.memory_space<vmem>>)
      tpu.yield
    }) : () -> ()
    %scan3A_37 = arith.constant 0 : i32
    %scan3A_38 = arith.constant 0 : i32
    %scan3A_39 = arith.constant 25 : i32
    %scan3A_40 = arith.addi %scan3A_38, %scan3A_39 : i32
    %scan3A_41 = arith.constant 1 : i32
    scf.for %scan3A_386 = %scan3A_38 to %scan3A_40 step %scan3A_41  : i32 {
      %mul3A_387 = arith.constant 16 : i32
      %mul3A_388 = arith.muli %scan3A_386, %mul3A_387 : i32
      %get3A = arith.index_cast %mul3A_388 : i32 to index
      %get3A_389 = tpu.vector_load %arg8[%get3A] {strides = array<i32>} : memref<400xi32, #tpu.memory_space<vmem>>, vector<16xi32>,
      %get3A_390 = vector.shape_cast %get3A_389 : vector<16xi32> to vector<16xi32>
      %lt3A = arith.constant 10000 : i32
      %lt3A_391 = vector.broadcast %lt3A : i32 to vector<16xi32>
      %lt3A_392 = arith.cmpi slt, %get3A_390, %lt3A_391 : vector<16xi32>
      %jit3A = arith.constant -1 : i32
      %broadcast_in_dim3A = vector.broadcast %jit3A : i32 to vector<16xi32>
      %select_n3A = arith.select %lt3A_392, %get3A_390, %broadcast_in_dim3A : vector<16xi1>, vector<16xi32>
      %swap3A = arith.index_cast %mul3A_388 : i32 to index
      %swap3A_393 = tpu.vector_load %arg12[%swap3A] {strides = array<i32>} : memref<400xi32, #tpu.memory_space<vmem>>, vector<16xi32>,
      %swap3A_394 = vector.shape_cast %swap3A_393 : vector<16xi32> to vector<16xi32>
      %swap3A_395 = vector.shape_cast %select_n3A : vector<16xi32> to vector<16xi32>
      tpu.vector_store %arg12[%swap3A], %swap3A_395 {strides = array<i32>} : memref<400xi32, #tpu.memory_space<vmem>>, vector<16xi32>,
    }
    %scan3A_42 = arith.constant 25 : i32
    %dma_start3A_43 = arith.constant 0 : i32
    %dma_start3A_44 = arith.constant 0 : i32
    %dma_start3A_45 = tpu.memref_slice %arg3[%dma_start3A_43, %dma_start3A_44] : memref<1000000x64xf32, #tpu.memory_space<hbm>> -> memref<1000000x64xf32, #tpu.memory_space<hbm>>
    tpu.enqueue_indirect_dma source(%dma_start3A_45 : memref<1000000x64xf32, #tpu.memory_space<hbm>>) target(%arg16 : memref<400x64xf32, #tpu.memory_space<vmem>>) offsets(%arg8 : memref<400xi32, #tpu.memory_space<vmem>>) semaphore(%arg20 : memref<!tpu.dma_semaphore, #tpu.memory_space<semaphore_mem>>)
    %dma_wait3A_46 = arith.constant 0 : i32
    %dma_wait3A_47 = arith.constant 0 : i32
    %dma_wait3A_48 = tpu.memref_slice %arg3[%dma_wait3A_46, %dma_wait3A_47] : memref<1000000x64xf32, #tpu.memory_space<hbm>> -> memref<1000000x64xf32, #tpu.memory_space<hbm>>
    tpu.wait_indirect_dma semaphore(%arg19 : memref<!tpu.dma_semaphore, #tpu.memory_space<semaphore_mem>>) src(%dma_wait3A_48 : memref<1000000x64xf32, #tpu.memory_space<hbm>>) dst(%arg15 : memref<400x64xf32, #tpu.memory_space<vmem>>)
    %dma_start3A_49 = arith.constant 0 : i32
    %dma_start3A_50 = arith.constant 0 : i32
    %dma_start3A_51 = tpu.memref_slice %arg4[%dma_start3A_49, %dma_start3A_50] : memref<10240x64xf32, #tpu.memory_space<hbm>> -> memref<10240x64xf32, #tpu.memory_space<hbm>>
    %dma_start3A_52 = arith.constant -1 : i32
    tpu.enqueue_indirect_dma source(%dma_start3A_51 : memref<10240x64xf32, #tpu.memory_space<hbm>>) target(%arg15 : memref<400x64xf32, #tpu.memory_space<vmem>>) offsets(%arg11 : memref<400xi32, #tpu.memory_space<vmem>>) offset_filter(%dma_start3A_52) semaphore(%arg23 : memref<!tpu.dma_semaphore, #tpu.memory_space<semaphore_mem>>) {add = true}
    %dma_wait3A_53 = arith.constant 0 : i32
    %dma_wait3A_54 = arith.constant 0 : i32
    %dma_wait3A_55 = tpu.memref_slice %arg4[%dma_wait3A_53, %dma_wait3A_54] : memref<10240x64xf32, #tpu.memory_space<hbm>> -> memref<10240x64xf32, #tpu.memory_space<hbm>>
    tpu.wait_indirect_dma semaphore(%arg22 : memref<!tpu.dma_semaphore, #tpu.memory_space<semaphore_mem>>) src(%dma_wait3A_55 : memref<10240x64xf32, #tpu.memory_space<hbm>>) dst(%arg14 : memref<400x64xf32, #tpu.memory_space<vmem>>)
    %add3A_56 = arith.constant 0 : i32
    %add3A_57 = arith.addi %mul3A_2, %add3A_56 : i32
    %add3A_58 = arith.constant 0 : i32
    %add3A_59 = arith.addi %add3A_57, %add3A_58 : i32
    %dma_start3A_60 = arith.constant 0 : i32
    %dma_start3A_61 = arith.constant 0 : i32
    %dma_start3A_62 = tpu.memref_slice %arg14[%dma_start3A_60, %dma_start3A_61] : memref<400x64xf32, #tpu.memory_space<vmem>> -> memref<200x64xf32, #tpu.memory_space<vmem>>
    %dma_start3A_63 = arith.constant 0 : i32
    %dma_start3A_64 = arith.constant 0 : i32
    %dma_start3A_65 = tpu.memref_slice %arg5[%add3A_59, %dma_start3A_63, %dma_start3A_64] : memref<4096x200x64xf32, #tpu.memory_space<hbm>> -> memref<1x200x64xf32, #tpu.memory_space<hbm>>
    %dma_start3A_66 = tpu.memref_squeeze %dma_start3A_65 : memref<1x200x64xf32, #tpu.memory_space<hbm>> -> memref<200x64xf32, #tpu.memory_space<hbm>>
    %dma_start3A_67 = arith.constant 0 : i32
    %dma_start3A_68 = arith.constant 0 : i32
    %dma_start3A_69 = tpu.memref_slice %arg5[%add3A_59, %dma_start3A_67, %dma_start3A_68] : memref<4096x200x64xf32, #tpu.memory_space<hbm>> -> memref<1x200x64xf32, #tpu.memory_space<hbm>>
    %dma_start3A_70 = tpu.memref_squeeze %dma_start3A_69 : memref<1x200x64xf32, #tpu.memory_space<hbm>> -> memref<200x64xf32, #tpu.memory_space<hbm>>
    %dma_start3A_71 = arith.constant 0 : i32
    %dma_start3A_72 = arith.constant 0 : i32
    %dma_start3A_73 = tpu.memref_slice %arg14[%dma_start3A_71, %dma_start3A_72] : memref<400x64xf32, #tpu.memory_space<vmem>> -> memref<200x64xf32, #tpu.memory_space<vmem>>
    tpu.enqueue_dma source(%dma_start3A_73 : memref<200x64xf32, #tpu.memory_space<vmem>>) target(%dma_start3A_70 : memref<200x64xf32, #tpu.memory_space<hbm>>) target_semaphore(%arg26 : memref<!tpu.dma_semaphore, #tpu.memory_space<semaphore_mem>>)
    %add3A_74 = arith.constant 0 : i32
    %add3A_75 = arith.addi %mul3A_2, %add3A_74 : i32
    %add3A_76 = arith.constant 1 : i32
    %add3A_77 = arith.addi %add3A_75, %add3A_76 : i32
    %dma_start3A_78 = arith.constant 200 : i32
    %dma_start3A_79 = arith.constant 0 : i32
    %dma_start3A_80 = tpu.memref_slice %arg14[%dma_start3A_78, %dma_start3A_79] : memref<400x64xf32, #tpu.memory_space<vmem>> -> memref<200x64xf32, #tpu.memory_space<vmem>>
    %dma_start3A_81 = arith.constant 0 : i32
    %dma_start3A_82 = arith.constant 0 : i32
    %dma_start3A_83 = tpu.memref_slice %arg5[%add3A_77, %dma_start3A_81, %dma_start3A_82] : memref<4096x200x64xf32, #tpu.memory_space<hbm>> -> memref<1x200x64xf32, #tpu.memory_space<hbm>>
    %dma_start3A_84 = tpu.memref_squeeze %dma_start3A_83 : memref<1x200x64xf32, #tpu.memory_space<hbm>> -> memref<200x64xf32, #tpu.memory_space<hbm>>
    %dma_start3A_85 = arith.constant 0 : i32
    %dma_start3A_86 = arith.constant 0 : i32
    %dma_start3A_87 = tpu.memref_slice %arg5[%add3A_77, %dma_start3A_85, %dma_start3A_86] : memref<4096x200x64xf32, #tpu.memory_space<hbm>> -> memref<1x200x64xf32, #tpu.memory_space<hbm>>
    %dma_start3A_88 = tpu.memref_squeeze %dma_start3A_87 : memref<1x200x64xf32, #tpu.memory_space<hbm>> -> memref<200x64xf32, #tpu.memory_space<hbm>>
    %dma_start3A_89 = arith.constant 200 : i32
    %dma_start3A_90 = arith.constant 0 : i32
    %dma_start3A_91 = tpu.memref_slice %arg14[%dma_start3A_89, %dma_start3A_90] : memref<400x64xf32, #tpu.memory_space<vmem>> -> memref<200x64xf32, #tpu.memory_space<vmem>>
    tpu.enqueue_dma source(%dma_start3A_91 : memref<200x64xf32, #tpu.memory_space<vmem>>) target(%dma_start3A_88 : memref<200x64xf32, #tpu.memory_space<hbm>>) target_semaphore(%arg26 : memref<!tpu.dma_semaphore, #tpu.memory_space<semaphore_mem>>)
    %add3A_92 = arith.constant 6 : i32
    %add3A_93 = arith.addi %mul3A_2, %add3A_92 : i32
    %mul3A_94 = arith.constant 200 : i32
    %mul3A_95 = arith.muli %add3A_93, %mul3A_94 : i32
    "tpu.region"() ({
      %run_scoped3A = tpu.sem_alloc : memref<!tpu.dma_semaphore, #tpu.memory_space<semaphore_mem>>
      %dma_start3A_386 = tpu.memref_slice %arg2[%mul3A_95] : memref<819200xi32, #tpu.memory_space<hbm>> -> memref<400xi32, #tpu.memory_space<hbm>>
      %dma_start3A_387 = tpu.memref_slice %arg2[%mul3A_95] : memref<819200xi32, #tpu.memory_space<hbm>> -> memref<400xi32, #tpu.memory_space<hbm>>
      tpu.enqueue_dma source(%dma_start3A_387 : memref<400xi32, #tpu.memory_space<hbm>>) target(%arg9 : memref<400xi32, #tpu.memory_space<vmem>>) target_semaphore(%run_scoped3A : memref<!tpu.dma_semaphore, #tpu.memory_space<semaphore_mem>>)
      %dma_wait3A_388 = tpu.memref_slice %arg2[%mul3A_95] : memref<819200xi32, #tpu.memory_space<hbm>> -> memref<400xi32, #tpu.memory_space<hbm>>
      %dma_wait3A_389 = tpu.memref_slice %arg2[%mul3A_95] : memref<819200xi32, #tpu.memory_space<hbm>> -> memref<400xi32, #tpu.memory_space<hbm>>
      tpu.wait_dma2 semaphore(%run_scoped3A : memref<!tpu.dma_semaphore, #tpu.memory_space<semaphore_mem>>) src(%dma_wait3A_389 : memref<400xi32, #tpu.memory_space<hbm>>) dst(%arg9 : memref<400xi32, #tpu.memory_space<vmem>>)
      tpu.yield
    }) : () -> ()
    %scan3A_96 = arith.constant 0 : i32
    %scan3A_97 = arith.constant 0 : i32
    %scan3A_98 = arith.constant 25 : i32
    %scan3A_99 = arith.addi %scan3A_97, %scan3A_98 : i32
    %scan3A_100 = arith.constant 1 : i32
    scf.for %scan3A_386 = %scan3A_97 to %scan3A_99 step %scan3A_100  : i32 {
      %mul3A_387 = arith.constant 16 : i32
      %mul3A_388 = arith.muli %scan3A_386, %mul3A_387 : i32
      %get3A = arith.index_cast %mul3A_388 : i32 to index
      %get3A_389 = tpu.vector_load %arg9[%get3A] {strides = array<i32>} : memref<400xi32, #tpu.memory_space<vmem>>, vector<16xi32>,
      %get3A_390 = vector.shape_cast %get3A_389 : vector<16xi32> to vector<16xi32>
      %lt3A = arith.constant 10000 : i32
      %lt3A_391 = vector.broadcast %lt3A : i32 to vector<16xi32>
      %lt3A_392 = arith.cmpi slt, %get3A_390, %lt3A_391 : vector<16xi32>
      %jit3A = arith.constant -1 : i32
      %broadcast_in_dim3A = vector.broadcast %jit3A : i32 to vector<16xi32>
      %select_n3A = arith.select %lt3A_392, %get3A_390, %broadcast_in_dim3A : vector<16xi1>, vector<16xi32>
      %swap3A = arith.index_cast %mul3A_388 : i32 to index
      %swap3A_393 = tpu.vector_load %arg13[%swap3A] {strides = array<i32>} : memref<400xi32, #tpu.memory_space<vmem>>, vector<16xi32>,
      %swap3A_394 = vector.shape_cast %swap3A_393 : vector<16xi32> to vector<16xi32>
      %swap3A_395 = vector.shape_cast %select_n3A : vector<16xi32> to vector<16xi32>
      tpu.vector_store %arg13[%swap3A], %swap3A_395 {strides = array<i32>} : memref<400xi32, #tpu.memory_space<vmem>>, vector<16xi32>,
    }
    %scan3A_101 = arith.constant 25 : i32
    %dma_start3A_102 = arith.constant 0 : i32
    %dma_start3A_103 = arith.constant 0 : i32
    %dma_start3A_104 = tpu.memref_slice %arg3[%dma_start3A_102, %dma_start3A_103] : memref<1000000x64xf32, #tpu.memory_space<hbm>> -> memref<1000000x64xf32, #tpu.memory_space<hbm>>
    tpu.enqueue_indirect_dma source(%dma_start3A_104 : memref<1000000x64xf32, #tpu.memory_space<hbm>>) target(%arg17 : memref<400x64xf32, #tpu.memory_space<vmem>>) offsets(%arg9 : memref<400xi32, #tpu.memory_space<vmem>>) semaphore(%arg21 : memref<!tpu.dma_semaphore, #tpu.memory_space<semaphore_mem>>)
    %dma_wait3A_105 = arith.constant 0 : i32
    %dma_wait3A_106 = arith.constant 0 : i32
    %dma_wait3A_107 = tpu.memref_slice %arg3[%dma_wait3A_105, %dma_wait3A_106] : memref<1000000x64xf32, #tpu.memory_space<hbm>> -> memref<1000000x64xf32, #tpu.memory_space<hbm>>
    tpu.wait_indirect_dma semaphore(%arg20 : memref<!tpu.dma_semaphore, #tpu.memory_space<semaphore_mem>>) src(%dma_wait3A_107 : memref<1000000x64xf32, #tpu.memory_space<hbm>>) dst(%arg16 : memref<400x64xf32, #tpu.memory_space<vmem>>)
    %dma_start3A_108 = arith.constant 0 : i32
    %dma_start3A_109 = arith.constant 0 : i32
    %dma_start3A_110 = tpu.memref_slice %arg4[%dma_start3A_108, %dma_start3A_109] : memref<10240x64xf32, #tpu.memory_space<hbm>> -> memref<10240x64xf32, #tpu.memory_space<hbm>>
    %dma_start3A_111 = arith.constant -1 : i32
    tpu.enqueue_indirect_dma source(%dma_start3A_110 : memref<10240x64xf32, #tpu.memory_space<hbm>>) target(%arg16 : memref<400x64xf32, #tpu.memory_space<vmem>>) offsets(%arg12 : memref<400xi32, #tpu.memory_space<vmem>>) offset_filter(%dma_start3A_111) semaphore(%arg24 : memref<!tpu.dma_semaphore, #tpu.memory_space<semaphore_mem>>) {add = true}
    %dma_wait3A_112 = arith.constant 0 : i32
    %dma_wait3A_113 = arith.constant 0 : i32
    %dma_wait3A_114 = tpu.memref_slice %arg4[%dma_wait3A_112, %dma_wait3A_113] : memref<10240x64xf32, #tpu.memory_space<hbm>> -> memref<10240x64xf32, #tpu.memory_space<hbm>>
    tpu.wait_indirect_dma semaphore(%arg23 : memref<!tpu.dma_semaphore, #tpu.memory_space<semaphore_mem>>) src(%dma_wait3A_114 : memref<10240x64xf32, #tpu.memory_space<hbm>>) dst(%arg15 : memref<400x64xf32, #tpu.memory_space<vmem>>)
    %add3A_115 = arith.constant 2 : i32
    %add3A_116 = arith.addi %mul3A_2, %add3A_115 : i32
    %add3A_117 = arith.constant 0 : i32
    %add3A_118 = arith.addi %add3A_116, %add3A_117 : i32
    %dma_start3A_119 = arith.constant 0 : i32
    %dma_start3A_120 = arith.constant 0 : i32
    %dma_start3A_121 = tpu.memref_slice %arg15[%dma_start3A_119, %dma_start3A_120] : memref<400x64xf32, #tpu.memory_space<vmem>> -> memref<200x64xf32, #tpu.memory_space<vmem>>
    %dma_start3A_122 = arith.constant 0 : i32
    %dma_start3A_123 = arith.constant 0 : i32
    %dma_start3A_124 = tpu.memref_slice %arg5[%add3A_118, %dma_start3A_122, %dma_start3A_123] : memref<4096x200x64xf32, #tpu.memory_space<hbm>> -> memref<1x200x64xf32, #tpu.memory_space<hbm>>
    %dma_start3A_125 = tpu.memref_squeeze %dma_start3A_124 : memref<1x200x64xf32, #tpu.memory_space<hbm>> -> memref<200x64xf32, #tpu.memory_space<hbm>>
    %dma_start3A_126 = arith.constant 0 : i32
    %dma_start3A_127 = arith.constant 0 : i32
    %dma_start3A_128 = tpu.memref_slice %arg5[%add3A_118, %dma_start3A_126, %dma_start3A_127] : memref<4096x200x64xf32, #tpu.memory_space<hbm>> -> memref<1x200x64xf32, #tpu.memory_space<hbm>>
    %dma_start3A_129 = tpu.memref_squeeze %dma_start3A_128 : memref<1x200x64xf32, #tpu.memory_space<hbm>> -> memref<200x64xf32, #tpu.memory_space<hbm>>
    %dma_start3A_130 = arith.constant 0 : i32
    %dma_start3A_131 = arith.constant 0 : i32
    %dma_start3A_132 = tpu.memref_slice %arg15[%dma_start3A_130, %dma_start3A_131] : memref<400x64xf32, #tpu.memory_space<vmem>> -> memref<200x64xf32, #tpu.memory_space<vmem>>
    tpu.enqueue_dma source(%dma_start3A_132 : memref<200x64xf32, #tpu.memory_space<vmem>>) target(%dma_start3A_129 : memref<200x64xf32, #tpu.memory_space<hbm>>) target_semaphore(%arg27 : memref<!tpu.dma_semaphore, #tpu.memory_space<semaphore_mem>>)
    %add3A_133 = arith.constant 2 : i32
    %add3A_134 = arith.addi %mul3A_2, %add3A_133 : i32
    %add3A_135 = arith.constant 1 : i32
    %add3A_136 = arith.addi %add3A_134, %add3A_135 : i32
    %dma_start3A_137 = arith.constant 200 : i32
    %dma_start3A_138 = arith.constant 0 : i32
    %dma_start3A_139 = tpu.memref_slice %arg15[%dma_start3A_137, %dma_start3A_138] : memref<400x64xf32, #tpu.memory_space<vmem>> -> memref<200x64xf32, #tpu.memory_space<vmem>>
    %dma_start3A_140 = arith.constant 0 : i32
    %dma_start3A_141 = arith.constant 0 : i32
    %dma_start3A_142 = tpu.memref_slice %arg5[%add3A_136, %dma_start3A_140, %dma_start3A_141] : memref<4096x200x64xf32, #tpu.memory_space<hbm>> -> memref<1x200x64xf32, #tpu.memory_space<hbm>>
    %dma_start3A_143 = tpu.memref_squeeze %dma_start3A_142 : memref<1x200x64xf32, #tpu.memory_space<hbm>> -> memref<200x64xf32, #tpu.memory_space<hbm>>
    %dma_start3A_144 = arith.constant 0 : i32
    %dma_start3A_145 = arith.constant 0 : i32
    %dma_start3A_146 = tpu.memref_slice %arg5[%add3A_136, %dma_start3A_144, %dma_start3A_145] : memref<4096x200x64xf32, #tpu.memory_space<hbm>> -> memref<1x200x64xf32, #tpu.memory_space<hbm>>
    %dma_start3A_147 = tpu.memref_squeeze %dma_start3A_146 : memref<1x200x64xf32, #tpu.memory_space<hbm>> -> memref<200x64xf32, #tpu.memory_space<hbm>>
    %dma_start3A_148 = arith.constant 200 : i32
    %dma_start3A_149 = arith.constant 0 : i32
    %dma_start3A_150 = tpu.memref_slice %arg15[%dma_start3A_148, %dma_start3A_149] : memref<400x64xf32, #tpu.memory_space<vmem>> -> memref<200x64xf32, #tpu.memory_space<vmem>>
    tpu.enqueue_dma source(%dma_start3A_150 : memref<200x64xf32, #tpu.memory_space<vmem>>) target(%dma_start3A_147 : memref<200x64xf32, #tpu.memory_space<hbm>>) target_semaphore(%arg27 : memref<!tpu.dma_semaphore, #tpu.memory_space<semaphore_mem>>)
    %scan3A_151 = arith.constant 0 : i32
    %scan3A_152 = arith.constant 1 : i32
    %scan3A_153 = arith.constant 15 : i32
    %scan3A_154 = arith.addi %scan3A_152, %scan3A_153 : i32
    %scan3A_155 = arith.constant 1 : i32
    scf.for %scan3A_386 = %scan3A_152 to %scan3A_154 step %scan3A_155  : i32 {
      %mul3A_387 = arith.constant 4 : i32
      %mul3A_388 = arith.muli %mul3A_387, %scan3A_386 : i32
      %add3A_389 = arith.constant 0 : i32
      %add3A_390 = arith.addi %mul3A_388, %add3A_389 : i32
      %sub3A = arith.constant 4 : i32
      %sub3A_391 = arith.subi %add3A_390, %sub3A : i32
      %mul3A_392 = arith.constant 2 : i32
      %mul3A_393 = arith.muli %sub3A_391, %mul3A_392 : i32
      %add3A_394 = arith.addi %mul3A_2, %mul3A_393 : i32
      %add3A_395 = arith.constant 0 : i32
      %add3A_396 = arith.addi %add3A_394, %add3A_395 : i32
      %dma_wait3A_397 = arith.constant 0 : i32
      %dma_wait3A_398 = arith.constant 0 : i32
      %dma_wait3A_399 = tpu.memref_slice %arg14[%dma_wait3A_397, %dma_wait3A_398] : memref<400x64xf32, #tpu.memory_space<vmem>> -> memref<200x64xf32, #tpu.memory_space<vmem>>
      %dma_wait3A_400 = arith.constant 0 : i32
      %dma_wait3A_401 = arith.constant 0 : i32
      %dma_wait3A_402 = tpu.memref_slice %arg5[%add3A_396, %dma_wait3A_400, %dma_wait3A_401] : memref<4096x200x64xf32, #tpu.memory_space<hbm>> -> memref<1x200x64xf32, #tpu.memory_space<hbm>>
      %dma_wait3A_403 = tpu.memref_squeeze %dma_wait3A_402 : memref<1x200x64xf32, #tpu.memory_space<hbm>> -> memref<200x64xf32, #tpu.memory_space<hbm>>
      %dma_wait3A_404 = arith.constant 0 : i32
      %dma_wait3A_405 = arith.constant 0 : i32
      %dma_wait3A_406 = tpu.memref_slice %arg5[%add3A_396, %dma_wait3A_404, %dma_wait3A_405] : memref<4096x200x64xf32, #tpu.memory_space<hbm>> -> memref<1x200x64xf32, #tpu.memory_space<hbm>>
      %dma_wait3A_407 = tpu.memref_squeeze %dma_wait3A_406 : memref<1x200x64xf32, #tpu.memory_space<hbm>> -> memref<200x64xf32, #tpu.memory_space<hbm>>
      %dma_wait3A_408 = arith.constant 0 : i32
      %dma_wait3A_409 = arith.constant 0 : i32
      %dma_wait3A_410 = tpu.memref_slice %arg14[%dma_wait3A_408, %dma_wait3A_409] : memref<400x64xf32, #tpu.memory_space<vmem>> -> memref<200x64xf32, #tpu.memory_space<vmem>>
      tpu.wait_dma2 semaphore(%arg26 : memref<!tpu.dma_semaphore, #tpu.memory_space<semaphore_mem>>) src(%dma_wait3A_410 : memref<200x64xf32, #tpu.memory_space<vmem>>) dst(%dma_wait3A_407 : memref<200x64xf32, #tpu.memory_space<hbm>>)
      %mul3A_411 = arith.constant 2 : i32
      %mul3A_412 = arith.muli %sub3A_391, %mul3A_411 : i32
      %add3A_413 = arith.addi %mul3A_2, %mul3A_412 : i32
      %add3A_414 = arith.constant 1 : i32
      %add3A_415 = arith.addi %add3A_413, %add3A_414 : i32
      %dma_wait3A_416 = arith.constant 200 : i32
      %dma_wait3A_417 = arith.constant 0 : i32
      %dma_wait3A_418 = tpu.memref_slice %arg14[%dma_wait3A_416, %dma_wait3A_417] : memref<400x64xf32, #tpu.memory_space<vmem>> -> memref<200x64xf32, #tpu.memory_space<vmem>>
      %dma_wait3A_419 = arith.constant 0 : i32
      %dma_wait3A_420 = arith.constant 0 : i32
      %dma_wait3A_421 = tpu.memref_slice %arg5[%add3A_415, %dma_wait3A_419, %dma_wait3A_420] : memref<4096x200x64xf32, #tpu.memory_space<hbm>> -> memref<1x200x64xf32, #tpu.memory_space<hbm>>
      %dma_wait3A_422 = tpu.memref_squeeze %dma_wait3A_421 : memref<1x200x64xf32, #tpu.memory_space<hbm>> -> memref<200x64xf32, #tpu.memory_space<hbm>>
      %dma_wait3A_423 = arith.constant 0 : i32
      %dma_wait3A_424 = arith.constant 0 : i32
      %dma_wait3A_425 = tpu.memref_slice %arg5[%add3A_415, %dma_wait3A_423, %dma_wait3A_424] : memref<4096x200x64xf32, #tpu.memory_space<hbm>> -> memref<1x200x64xf32, #tpu.memory_space<hbm>>
      %dma_wait3A_426 = tpu.memref_squeeze %dma_wait3A_425 : memref<1x200x64xf32, #tpu.memory_space<hbm>> -> memref<200x64xf32, #tpu.memory_space<hbm>>
      %dma_wait3A_427 = arith.constant 200 : i32
      %dma_wait3A_428 = arith.constant 0 : i32
      %dma_wait3A_429 = tpu.memref_slice %arg14[%dma_wait3A_427, %dma_wait3A_428] : memref<400x64xf32, #tpu.memory_space<vmem>> -> memref<200x64xf32, #tpu.memory_space<vmem>>
      tpu.wait_dma2 semaphore(%arg26 : memref<!tpu.dma_semaphore, #tpu.memory_space<semaphore_mem>>) src(%dma_wait3A_429 : memref<200x64xf32, #tpu.memory_space<vmem>>) dst(%dma_wait3A_426 : memref<200x64xf32, #tpu.memory_space<hbm>>)
      %mul3A_430 = arith.constant 2 : i32
      %mul3A_431 = arith.muli %add3A_390, %mul3A_430 : i32
      %add3A_432 = arith.addi %mul3A_2, %mul3A_431 : i32
      %mul3A_433 = arith.constant 200 : i32
      %mul3A_434 = arith.muli %add3A_432, %mul3A_433 : i32
      "tpu.region"() ({
        %run_scoped3A = tpu.sem_alloc : memref<!tpu.dma_semaphore, #tpu.memory_space<semaphore_mem>>
        %dma_start3A_818 = tpu.memref_slice %arg2[%mul3A_434] : memref<819200xi32, #tpu.memory_space<hbm>> -> memref<400xi32, #tpu.memory_space<hbm>>
        %dma_start3A_819 = tpu.memref_slice %arg2[%mul3A_434] : memref<819200xi32, #tpu.memory_space<hbm>> -> memref<400xi32, #tpu.memory_space<hbm>>
        tpu.enqueue_dma source(%dma_start3A_819 : memref<400xi32, #tpu.memory_space<hbm>>) target(%arg6 : memref<400xi32, #tpu.memory_space<vmem>>) target_semaphore(%run_scoped3A : memref<!tpu.dma_semaphore, #tpu.memory_space<semaphore_mem>>)
        %dma_wait3A_820 = tpu.memref_slice %arg2[%mul3A_434] : memref<819200xi32, #tpu.memory_space<hbm>> -> memref<400xi32, #tpu.memory_space<hbm>>
        %dma_wait3A_821 = tpu.memref_slice %arg2[%mul3A_434] : memref<819200xi32, #tpu.memory_space<hbm>> -> memref<400xi32, #tpu.memory_space<hbm>>
        tpu.wait_dma2 semaphore(%run_scoped3A : memref<!tpu.dma_semaphore, #tpu.memory_space<semaphore_mem>>) src(%dma_wait3A_821 : memref<400xi32, #tpu.memory_space<hbm>>) dst(%arg6 : memref<400xi32, #tpu.memory_space<vmem>>)
        tpu.yield
      }) : () -> ()
      %scan3A_435 = arith.constant 0 : i32
      %scan3A_436 = arith.constant 0 : i32
      %scan3A_437 = arith.constant 25 : i32
      %scan3A_438 = arith.addi %scan3A_436, %scan3A_437 : i32
      %scan3A_439 = arith.constant 1 : i32
      scf.for %scan3A_818 = %scan3A_436 to %scan3A_438 step %scan3A_439  : i32 {
        %mul3A_819 = arith.constant 16 : i32
        %mul3A_820 = arith.muli %scan3A_818, %mul3A_819 : i32
        %get3A = arith.index_cast %mul3A_820 : i32 to index
        %get3A_821 = tpu.vector_load %arg6[%get3A] {strides = array<i32>} : memref<400xi32, #tpu.memory_space<vmem>>, vector<16xi32>,
        %get3A_822 = vector.shape_cast %get3A_821 : vector<16xi32> to vector<16xi32>
        %lt3A = arith.constant 10000 : i32
        %lt3A_823 = vector.broadcast %lt3A : i32 to vector<16xi32>
        %lt3A_824 = arith.cmpi slt, %get3A_822, %lt3A_823 : vector<16xi32>
        %jit3A = arith.constant -1 : i32
        %broadcast_in_dim3A = vector.broadcast %jit3A : i32 to vector<16xi32>
        %select_n3A = arith.select %lt3A_824, %get3A_822, %broadcast_in_dim3A : vector<16xi1>, vector<16xi32>
        %swap3A = arith.index_cast %mul3A_820 : i32 to index
        %swap3A_825 = tpu.vector_load %arg10[%swap3A] {strides = array<i32>} : memref<400xi32, #tpu.memory_space<vmem>>, vector<16xi32>,
        %swap3A_826 = vector.shape_cast %swap3A_825 : vector<16xi32> to vector<16xi32>
        %swap3A_827 = vector.shape_cast %select_n3A : vector<16xi32> to vector<16xi32>
        tpu.vector_store %arg10[%swap3A], %swap3A_827 {strides = array<i32>} : memref<400xi32, #tpu.memory_space<vmem>>, vector<16xi32>,
      }
      %scan3A_440 = arith.constant 25 : i32
      %dma_start3A_441 = arith.constant 0 : i32
      %dma_start3A_442 = arith.constant 0 : i32
      %dma_start3A_443 = tpu.memref_slice %arg3[%dma_start3A_441, %dma_start3A_442] : memref<1000000x64xf32, #tpu.memory_space<hbm>> -> memref<1000000x64xf32, #tpu.memory_space<hbm>>
      tpu.enqueue_indirect_dma source(%dma_start3A_443 : memref<1000000x64xf32, #tpu.memory_space<hbm>>) target(%arg14 : memref<400x64xf32, #tpu.memory_space<vmem>>) offsets(%arg6 : memref<400xi32, #tpu.memory_space<vmem>>) semaphore(%arg18 : memref<!tpu.dma_semaphore, #tpu.memory_space<semaphore_mem>>)
      %dma_wait3A_444 = arith.constant 0 : i32
      %dma_wait3A_445 = arith.constant 0 : i32
      %dma_wait3A_446 = tpu.memref_slice %arg3[%dma_wait3A_444, %dma_wait3A_445] : memref<1000000x64xf32, #tpu.memory_space<hbm>> -> memref<1000000x64xf32, #tpu.memory_space<hbm>>
      tpu.wait_indirect_dma semaphore(%arg21 : memref<!tpu.dma_semaphore, #tpu.memory_space<semaphore_mem>>) src(%dma_wait3A_446 : memref<1000000x64xf32, #tpu.memory_space<hbm>>) dst(%arg17 : memref<400x64xf32, #tpu.memory_space<vmem>>)
      %dma_start3A_447 = arith.constant 0 : i32
      %dma_start3A_448 = arith.constant 0 : i32
      %dma_start3A_449 = tpu.memref_slice %arg4[%dma_start3A_447, %dma_start3A_448] : memref<10240x64xf32, #tpu.memory_space<hbm>> -> memref<10240x64xf32, #tpu.memory_space<hbm>>
      %dma_start3A_450 = arith.constant -1 : i32
      tpu.enqueue_indirect_dma source(%dma_start3A_449 : memref<10240x64xf32, #tpu.memory_space<hbm>>) target(%arg17 : memref<400x64xf32, #tpu.memory_space<vmem>>) offsets(%arg13 : memref<400xi32, #tpu.memory_space<vmem>>) offset_filter(%dma_start3A_450) semaphore(%arg25 : memref<!tpu.dma_semaphore, #tpu.memory_space<semaphore_mem>>) {add = true}
      %sub3A_451 = arith.constant 2 : i32
      %sub3A_452 = arith.subi %add3A_390, %sub3A_451 : i32
      %dma_wait3A_453 = arith.constant 0 : i32
      %dma_wait3A_454 = arith.constant 0 : i32
      %dma_wait3A_455 = tpu.memref_slice %arg4[%dma_wait3A_453, %dma_wait3A_454] : memref<10240x64xf32, #tpu.memory_space<hbm>> -> memref<10240x64xf32, #tpu.memory_space<hbm>>
      tpu.wait_indirect_dma semaphore(%arg24 : memref<!tpu.dma_semaphore, #tpu.memory_space<semaphore_mem>>) src(%dma_wait3A_455 : memref<10240x64xf32, #tpu.memory_space<hbm>>) dst(%arg16 : memref<400x64xf32, #tpu.memory_space<vmem>>)
      %mul3A_456 = arith.constant 2 : i32
      %mul3A_457 = arith.muli %sub3A_452, %mul3A_456 : i32
      %add3A_458 = arith.addi %mul3A_2, %mul3A_457 : i32
      %add3A_459 = arith.constant 0 : i32
      %add3A_460 = arith.addi %add3A_458, %add3A_459 : i32
      %dma_start3A_461 = arith.constant 0 : i32
      %dma_start3A_462 = arith.constant 0 : i32
      %dma_start3A_463 = tpu.memref_slice %arg16[%dma_start3A_461, %dma_start3A_462] : memref<400x64xf32, #tpu.memory_space<vmem>> -> memref<200x64xf32, #tpu.memory_space<vmem>>
      %dma_start3A_464 = arith.constant 0 : i32
      %dma_start3A_465 = arith.constant 0 : i32
      %dma_start3A_466 = tpu.memref_slice %arg5[%add3A_460, %dma_start3A_464, %dma_start3A_465] : memref<4096x200x64xf32, #tpu.memory_space<hbm>> -> memref<1x200x64xf32, #tpu.memory_space<hbm>>
      %dma_start3A_467 = tpu.memref_squeeze %dma_start3A_466 : memref<1x200x64xf32, #tpu.memory_space<hbm>> -> memref<200x64xf32, #tpu.memory_space<hbm>>
      %dma_start3A_468 = arith.constant 0 : i32
      %dma_start3A_469 = arith.constant 0 : i32
      %dma_start3A_470 = tpu.memref_slice %arg5[%add3A_460, %dma_start3A_468, %dma_start3A_469] : memref<4096x200x64xf32, #tpu.memory_space<hbm>> -> memref<1x200x64xf32, #tpu.memory_space<hbm>>
      %dma_start3A_471 = tpu.memref_squeeze %dma_start3A_470 : memref<1x200x64xf32, #tpu.memory_space<hbm>> -> memref<200x64xf32, #tpu.memory_space<hbm>>
      %dma_start3A_472 = arith.constant 0 : i32
      %dma_start3A_473 = arith.constant 0 : i32
      %dma_start3A_474 = tpu.memref_slice %arg16[%dma_start3A_472, %dma_start3A_473] : memref<400x64xf32, #tpu.memory_space<vmem>> -> memref<200x64xf32, #tpu.memory_space<vmem>>
      tpu.enqueue_dma source(%dma_start3A_474 : memref<200x64xf32, #tpu.memory_space<vmem>>) target(%dma_start3A_471 : memref<200x64xf32, #tpu.memory_space<hbm>>) target_semaphore(%arg28 : memref<!tpu.dma_semaphore, #tpu.memory_space<semaphore_mem>>)
      %mul3A_475 = arith.constant 2 : i32
      %mul3A_476 = arith.muli %sub3A_452, %mul3A_475 : i32
      %add3A_477 = arith.addi %mul3A_2, %mul3A_476 : i32
      %add3A_478 = arith.constant 1 : i32
      %add3A_479 = arith.addi %add3A_477, %add3A_478 : i32
      %dma_start3A_480 = arith.constant 200 : i32
      %dma_start3A_481 = arith.constant 0 : i32
      %dma_start3A_482 = tpu.memref_slice %arg16[%dma_start3A_480, %dma_start3A_481] : memref<400x64xf32, #tpu.memory_space<vmem>> -> memref<200x64xf32, #tpu.memory_space<vmem>>
      %dma_start3A_483 = arith.constant 0 : i32
      %dma_start3A_484 = arith.constant 0 : i32
      %dma_start3A_485 = tpu.memref_slice %arg5[%add3A_479, %dma_start3A_483, %dma_start3A_484] : memref<4096x200x64xf32, #tpu.memory_space<hbm>> -> memref<1x200x64xf32, #tpu.memory_space<hbm>>
      %dma_start3A_486 = tpu.memref_squeeze %dma_start3A_485 : memref<1x200x64xf32, #tpu.memory_space<hbm>> -> memref<200x64xf32, #tpu.memory_space<hbm>>
      %dma_start3A_487 = arith.constant 0 : i32
      %dma_start3A_488 = arith.constant 0 : i32
      %dma_start3A_489 = tpu.memref_slice %arg5[%add3A_479, %dma_start3A_487, %dma_start3A_488] : memref<4096x200x64xf32, #tpu.memory_space<hbm>> -> memref<1x200x64xf32, #tpu.memory_space<hbm>>
      %dma_start3A_490 = tpu.memref_squeeze %dma_start3A_489 : memref<1x200x64xf32, #tpu.memory_space<hbm>> -> memref<200x64xf32, #tpu.memory_space<hbm>>
      %dma_start3A_491 = arith.constant 200 : i32
      %dma_start3A_492 = arith.constant 0 : i32
      %dma_start3A_493 = tpu.memref_slice %arg16[%dma_start3A_491, %dma_start3A_492] : memref<400x64xf32, #tpu.memory_space<vmem>> -> memref<200x64xf32, #tpu.memory_space<vmem>>
      tpu.enqueue_dma source(%dma_start3A_493 : memref<200x64xf32, #tpu.memory_space<vmem>>) target(%dma_start3A_490 : memref<200x64xf32, #tpu.memory_space<hbm>>) target_semaphore(%arg28 : memref<!tpu.dma_semaphore, #tpu.memory_space<semaphore_mem>>)
      %mul3A_494 = arith.constant 4 : i32
      %mul3A_495 = arith.muli %mul3A_494, %scan3A_386 : i32
      %add3A_496 = arith.constant 1 : i32
      %add3A_497 = arith.addi %mul3A_495, %add3A_496 : i32
      %sub3A_498 = arith.constant 4 : i32
      %sub3A_499 = arith.subi %add3A_497, %sub3A_498 : i32
      %mul3A_500 = arith.constant 2 : i32
      %mul3A_501 = arith.muli %sub3A_499, %mul3A_500 : i32
      %add3A_502 = arith.addi %mul3A_2, %mul3A_501 : i32
      %add3A_503 = arith.constant 0 : i32
      %add3A_504 = arith.addi %add3A_502, %add3A_503 : i32
      %dma_wait3A_505 = arith.constant 0 : i32
      %dma_wait3A_506 = arith.constant 0 : i32
      %dma_wait3A_507 = tpu.memref_slice %arg15[%dma_wait3A_505, %dma_wait3A_506] : memref<400x64xf32, #tpu.memory_space<vmem>> -> memref<200x64xf32, #tpu.memory_space<vmem>>
      %dma_wait3A_508 = arith.constant 0 : i32
      %dma_wait3A_509 = arith.constant 0 : i32
      %dma_wait3A_510 = tpu.memref_slice %arg5[%add3A_504, %dma_wait3A_508, %dma_wait3A_509] : memref<4096x200x64xf32, #tpu.memory_space<hbm>> -> memref<1x200x64xf32, #tpu.memory_space<hbm>>
      %dma_wait3A_511 = tpu.memref_squeeze %dma_wait3A_510 : memref<1x200x64xf32, #tpu.memory_space<hbm>> -> memref<200x64xf32, #tpu.memory_space<hbm>>
      %dma_wait3A_512 = arith.constant 0 : i32
      %dma_wait3A_513 = arith.constant 0 : i32
      %dma_wait3A_514 = tpu.memref_slice %arg5[%add3A_504, %dma_wait3A_512, %dma_wait3A_513] : memref<4096x200x64xf32, #tpu.memory_space<hbm>> -> memref<1x200x64xf32, #tpu.memory_space<hbm>>
      %dma_wait3A_515 = tpu.memref_squeeze %dma_wait3A_514 : memref<1x200x64xf32, #tpu.memory_space<hbm>> -> memref<200x64xf32, #tpu.memory_space<hbm>>
      %dma_wait3A_516 = arith.constant 0 : i32
      %dma_wait3A_517 = arith.constant 0 : i32
      %dma_wait3A_518 = tpu.memref_slice %arg15[%dma_wait3A_516, %dma_wait3A_517] : memref<400x64xf32, #tpu.memory_space<vmem>> -> memref<200x64xf32, #tpu.memory_space<vmem>>
      tpu.wait_dma2 semaphore(%arg27 : memref<!tpu.dma_semaphore, #tpu.memory_space<semaphore_mem>>) src(%dma_wait3A_518 : memref<200x64xf32, #tpu.memory_space<vmem>>) dst(%dma_wait3A_515 : memref<200x64xf32, #tpu.memory_space<hbm>>)
      %mul3A_519 = arith.constant 2 : i32
      %mul3A_520 = arith.muli %sub3A_499, %mul3A_519 : i32
      %add3A_521 = arith.addi %mul3A_2, %mul3A_520 : i32
      %add3A_522 = arith.constant 1 : i32
      %add3A_523 = arith.addi %add3A_521, %add3A_522 : i32
      %dma_wait3A_524 = arith.constant 200 : i32
      %dma_wait3A_525 = arith.constant 0 : i32
      %dma_wait3A_526 = tpu.memref_slice %arg15[%dma_wait3A_524, %dma_wait3A_525] : memref<400x64xf32, #tpu.memory_space<vmem>> -> memref<200x64xf32, #tpu.memory_space<vmem>>
      %dma_wait3A_527 = arith.constant 0 : i32
      %dma_wait3A_528 = arith.constant 0 : i32
      %dma_wait3A_529 = tpu.memref_slice %arg5[%add3A_523, %dma_wait3A_527, %dma_wait3A_528] : memref<4096x200x64xf32, #tpu.memory_space<hbm>> -> memref<1x200x64xf32, #tpu.memory_space<hbm>>
      %dma_wait3A_530 = tpu.memref_squeeze %dma_wait3A_529 : memref<1x200x64xf32, #tpu.memory_space<hbm>> -> memref<200x64xf32, #tpu.memory_space<hbm>>
      %dma_wait3A_531 = arith.constant 0 : i32
      %dma_wait3A_532 = arith.constant 0 : i32
      %dma_wait3A_533 = tpu.memref_slice %arg5[%add3A_523, %dma_wait3A_531, %dma_wait3A_532] : memref<4096x200x64xf32, #tpu.memory_space<hbm>> -> memref<1x200x64xf32, #tpu.memory_space<hbm>>
      %dma_wait3A_534 = tpu.memref_squeeze %dma_wait3A_533 : memref<1x200x64xf32, #tpu.memory_space<hbm>> -> memref<200x64xf32, #tpu.memory_space<hbm>>
      %dma_wait3A_535 = arith.constant 200 : i32
      %dma_wait3A_536 = arith.constant 0 : i32
      %dma_wait3A_537 = tpu.memref_slice %arg15[%dma_wait3A_535, %dma_wait3A_536] : memref<400x64xf32, #tpu.memory_space<vmem>> -> memref<200x64xf32, #tpu.memory_space<vmem>>
      tpu.wait_dma2 semaphore(%arg27 : memref<!tpu.dma_semaphore, #tpu.memory_space<semaphore_mem>>) src(%dma_wait3A_537 : memref<200x64xf32, #tpu.memory_space<vmem>>) dst(%dma_wait3A_534 : memref<200x64xf32, #tpu.memory_space<hbm>>)
      %mul3A_538 = arith.constant 2 : i32
      %mul3A_539 = arith.muli %add3A_497, %mul3A_538 : i32
      %add3A_540 = arith.addi %mul3A_2, %mul3A_539 : i32
      %mul3A_541 = arith.constant 200 : i32
      %mul3A_542 = arith.muli %add3A_540, %mul3A_541 : i32
      "tpu.region"() ({
        %run_scoped3A = tpu.sem_alloc : memref<!tpu.dma_semaphore, #tpu.memory_space<semaphore_mem>>
        %dma_start3A_818 = tpu.memref_slice %arg2[%mul3A_542] : memref<819200xi32, #tpu.memory_space<hbm>> -> memref<400xi32, #tpu.memory_space<hbm>>
        %dma_start3A_819 = tpu.memref_slice %arg2[%mul3A_542] : memref<819200xi32, #tpu.memory_space<hbm>> -> memref<400xi32, #tpu.memory_space<hbm>>
        tpu.enqueue_dma source(%dma_start3A_819 : memref<400xi32, #tpu.memory_space<hbm>>) target(%arg7 : memref<400xi32, #tpu.memory_space<vmem>>) target_semaphore(%run_scoped3A : memref<!tpu.dma_semaphore, #tpu.memory_space<semaphore_mem>>)
        %dma_wait3A_820 = tpu.memref_slice %arg2[%mul3A_542] : memref<819200xi32, #tpu.memory_space<hbm>> -> memref<400xi32, #tpu.memory_space<hbm>>
        %dma_wait3A_821 = tpu.memref_slice %arg2[%mul3A_542] : memref<819200xi32, #tpu.memory_space<hbm>> -> memref<400xi32, #tpu.memory_space<hbm>>
        tpu.wait_dma2 semaphore(%run_scoped3A : memref<!tpu.dma_semaphore, #tpu.memory_space<semaphore_mem>>) src(%dma_wait3A_821 : memref<400xi32, #tpu.memory_space<hbm>>) dst(%arg7 : memref<400xi32, #tpu.memory_space<vmem>>)
        tpu.yield
      }) : () -> ()
      %scan3A_543 = arith.constant 0 : i32
      %scan3A_544 = arith.constant 0 : i32
      %scan3A_545 = arith.constant 25 : i32
      %scan3A_546 = arith.addi %scan3A_544, %scan3A_545 : i32
      %scan3A_547 = arith.constant 1 : i32
      scf.for %scan3A_818 = %scan3A_544 to %scan3A_546 step %scan3A_547  : i32 {
        %mul3A_819 = arith.constant 16 : i32
        %mul3A_820 = arith.muli %scan3A_818, %mul3A_819 : i32
        %get3A = arith.index_cast %mul3A_820 : i32 to index
        %get3A_821 = tpu.vector_load %arg7[%get3A] {strides = array<i32>} : memref<400xi32, #tpu.memory_space<vmem>>, vector<16xi32>,
        %get3A_822 = vector.shape_cast %get3A_821 : vector<16xi32> to vector<16xi32>
        %lt3A = arith.constant 10000 : i32
        %lt3A_823 = vector.broadcast %lt3A : i32 to vector<16xi32>
        %lt3A_824 = arith.cmpi slt, %get3A_822, %lt3A_823 : vector<16xi32>
        %jit3A = arith.constant -1 : i32
        %broadcast_in_dim3A = vector.broadcast %jit3A : i32 to vector<16xi32>
        %select_n3A = arith.select %lt3A_824, %get3A_822, %broadcast_in_dim3A : vector<16xi1>, vector<16xi32>
        %swap3A = arith.index_cast %mul3A_820 : i32 to index
        %swap3A_825 = tpu.vector_load %arg11[%swap3A] {strides = array<i32>} : memref<400xi32, #tpu.memory_space<vmem>>, vector<16xi32>,
        %swap3A_826 = vector.shape_cast %swap3A_825 : vector<16xi32> to vector<16xi32>
        %swap3A_827 = vector.shape_cast %select_n3A : vector<16xi32> to vector<16xi32>
        tpu.vector_store %arg11[%swap3A], %swap3A_827 {strides = array<i32>} : memref<400xi32, #tpu.memory_space<vmem>>, vector<16xi32>,
      }
      %scan3A_548 = arith.constant 25 : i32
      %dma_start3A_549 = arith.constant 0 : i32
      %dma_start3A_550 = arith.constant 0 : i32
      %dma_start3A_551 = tpu.memref_slice %arg3[%dma_start3A_549, %dma_start3A_550] : memref<1000000x64xf32, #tpu.memory_space<hbm>> -> memref<1000000x64xf32, #tpu.memory_space<hbm>>
      tpu.enqueue_indirect_dma source(%dma_start3A_551 : memref<1000000x64xf32, #tpu.memory_space<hbm>>) target(%arg15 : memref<400x64xf32, #tpu.memory_space<vmem>>) offsets(%arg7 : memref<400xi32, #tpu.memory_space<vmem>>) semaphore(%arg19 : memref<!tpu.dma_semaphore, #tpu.memory_space<semaphore_mem>>)
      %dma_wait3A_552 = arith.constant 0 : i32
      %dma_wait3A_553 = arith.constant 0 : i32
      %dma_wait3A_554 = tpu.memref_slice %arg3[%dma_wait3A_552, %dma_wait3A_553] : memref<1000000x64xf32, #tpu.memory_space<hbm>> -> memref<1000000x64xf32, #tpu.memory_space<hbm>>
      tpu.wait_indirect_dma semaphore(%arg18 : memref<!tpu.dma_semaphore, #tpu.memory_space<semaphore_mem>>) src(%dma_wait3A_554 : memref<1000000x64xf32, #tpu.memory_space<hbm>>) dst(%arg14 : memref<400x64xf32, #tpu.memory_space<vmem>>)
      %dma_start3A_555 = arith.constant 0 : i32
      %dma_start3A_556 = arith.constant 0 : i32
      %dma_start3A_557 = tpu.memref_slice %arg4[%dma_start3A_555, %dma_start3A_556] : memref<10240x64xf32, #tpu.memory_space<hbm>> -> memref<10240x64xf32, #tpu.memory_space<hbm>>
      %dma_start3A_558 = arith.constant -1 : i32
      tpu.enqueue_indirect_dma source(%dma_start3A_557 : memref<10240x64xf32, #tpu.memory_space<hbm>>) target(%arg14 : memref<400x64xf32, #tpu.memory_space<vmem>>) offsets(%arg10 : memref<400xi32, #tpu.memory_space<vmem>>) offset_filter(%dma_start3A_558) semaphore(%arg22 : memref<!tpu.dma_semaphore, #tpu.memory_space<semaphore_mem>>) {add = true}
      %sub3A_559 = arith.constant 2 : i32
      %sub3A_560 = arith.subi %add3A_497, %sub3A_559 : i32
      %dma_wait3A_561 = arith.constant 0 : i32
      %dma_wait3A_562 = arith.constant 0 : i32
      %dma_wait3A_563 = tpu.memref_slice %arg4[%dma_wait3A_561, %dma_wait3A_562] : memref<10240x64xf32, #tpu.memory_space<hbm>> -> memref<10240x64xf32, #tpu.memory_space<hbm>>
      tpu.wait_indirect_dma semaphore(%arg25 : memref<!tpu.dma_semaphore, #tpu.memory_space<semaphore_mem>>) src(%dma_wait3A_563 : memref<10240x64xf32, #tpu.memory_space<hbm>>) dst(%arg17 : memref<400x64xf32, #tpu.memory_space<vmem>>)
      %mul3A_564 = arith.constant 2 : i32
      %mul3A_565 = arith.muli %sub3A_560, %mul3A_564 : i32
      %add3A_566 = arith.addi %mul3A_2, %mul3A_565 : i32
      %add3A_567 = arith.constant 0 : i32
      %add3A_568 = arith.addi %add3A_566, %add3A_567 : i32
      %dma_start3A_569 = arith.constant 0 : i32
      %dma_start3A_570 = arith.constant 0 : i32
      %dma_start3A_571 = tpu.memref_slice %arg17[%dma_start3A_569, %dma_start3A_570] : memref<400x64xf32, #tpu.memory_space<vmem>> -> memref<200x64xf32, #tpu.memory_space<vmem>>
      %dma_start3A_572 = arith.constant 0 : i32
      %dma_start3A_573 = arith.constant 0 : i32
      %dma_start3A_574 = tpu.memref_slice %arg5[%add3A_568, %dma_start3A_572, %dma_start3A_573] : memref<4096x200x64xf32, #tpu.memory_space<hbm>> -> memref<1x200x64xf32, #tpu.memory_space<hbm>>
      %dma_start3A_575 = tpu.memref_squeeze %dma_start3A_574 : memref<1x200x64xf32, #tpu.memory_space<hbm>> -> memref<200x64xf32, #tpu.memory_space<hbm>>
      %dma_start3A_576 = arith.constant 0 : i32
      %dma_start3A_577 = arith.constant 0 : i32
      %dma_start3A_578 = tpu.memref_slice %arg5[%add3A_568, %dma_start3A_576, %dma_start3A_577] : memref<4096x200x64xf32, #tpu.memory_space<hbm>> -> memref<1x200x64xf32, #tpu.memory_space<hbm>>
      %dma_start3A_579 = tpu.memref_squeeze %dma_start3A_578 : memref<1x200x64xf32, #tpu.memory_space<hbm>> -> memref<200x64xf32, #tpu.memory_space<hbm>>
      %dma_start3A_580 = arith.constant 0 : i32
      %dma_start3A_581 = arith.constant 0 : i32
      %dma_start3A_582 = tpu.memref_slice %arg17[%dma_start3A_580, %dma_start3A_581] : memref<400x64xf32, #tpu.memory_space<vmem>> -> memref<200x64xf32, #tpu.memory_space<vmem>>
      tpu.enqueue_dma source(%dma_start3A_582 : memref<200x64xf32, #tpu.memory_space<vmem>>) target(%dma_start3A_579 : memref<200x64xf32, #tpu.memory_space<hbm>>) target_semaphore(%arg29 : memref<!tpu.dma_semaphore, #tpu.memory_space<semaphore_mem>>)
      %mul3A_583 = arith.constant 2 : i32
      %mul3A_584 = arith.muli %sub3A_560, %mul3A_583 : i32
      %add3A_585 = arith.addi %mul3A_2, %mul3A_584 : i32
      %add3A_586 = arith.constant 1 : i32
      %add3A_587 = arith.addi %add3A_585, %add3A_586 : i32
      %dma_start3A_588 = arith.constant 200 : i32
      %dma_start3A_589 = arith.constant 0 : i32
      %dma_start3A_590 = tpu.memref_slice %arg17[%dma_start3A_588, %dma_start3A_589] : memref<400x64xf32, #tpu.memory_space<vmem>> -> memref<200x64xf32, #tpu.memory_space<vmem>>
      %dma_start3A_591 = arith.constant 0 : i32
      %dma_start3A_592 = arith.constant 0 : i32
      %dma_start3A_593 = tpu.memref_slice %arg5[%add3A_587, %dma_start3A_591, %dma_start3A_592] : memref<4096x200x64xf32, #tpu.memory_space<hbm>> -> memref<1x200x64xf32, #tpu.memory_space<hbm>>
      %dma_start3A_594 = tpu.memref_squeeze %dma_start3A_593 : memref<1x200x64xf32, #tpu.memory_space<hbm>> -> memref<200x64xf32, #tpu.memory_space<hbm>>
      %dma_start3A_595 = arith.constant 0 : i32
      %dma_start3A_596 = arith.constant 0 : i32
      %dma_start3A_597 = tpu.memref_slice %arg5[%add3A_587, %dma_start3A_595, %dma_start3A_596] : memref<4096x200x64xf32, #tpu.memory_space<hbm>> -> memref<1x200x64xf32, #tpu.memory_space<hbm>>
      %dma_start3A_598 = tpu.memref_squeeze %dma_start3A_597 : memref<1x200x64xf32, #tpu.memory_space<hbm>> -> memref<200x64xf32, #tpu.memory_space<hbm>>
      %dma_start3A_599 = arith.constant 200 : i32
      %dma_start3A_600 = arith.constant 0 : i32
      %dma_start3A_601 = tpu.memref_slice %arg17[%dma_start3A_599, %dma_start3A_600] : memref<400x64xf32, #tpu.memory_space<vmem>> -> memref<200x64xf32, #tpu.memory_space<vmem>>
      tpu.enqueue_dma source(%dma_start3A_601 : memref<200x64xf32, #tpu.memory_space<vmem>>) target(%dma_start3A_598 : memref<200x64xf32, #tpu.memory_space<hbm>>) target_semaphore(%arg29 : memref<!tpu.dma_semaphore, #tpu.memory_space<semaphore_mem>>)
      %mul3A_602 = arith.constant 4 : i32
      %mul3A_603 = arith.muli %mul3A_602, %scan3A_386 : i32
      %add3A_604 = arith.constant 2 : i32
      %add3A_605 = arith.addi %mul3A_603, %add3A_604 : i32
      %sub3A_606 = arith.constant 4 : i32
      %sub3A_607 = arith.subi %add3A_605, %sub3A_606 : i32
      %mul3A_608 = arith.constant 2 : i32
      %mul3A_609 = arith.muli %sub3A_607, %mul3A_608 : i32
      %add3A_610 = arith.addi %mul3A_2, %mul3A_609 : i32
      %add3A_611 = arith.constant 0 : i32
      %add3A_612 = arith.addi %add3A_610, %add3A_611 : i32
      %dma_wait3A_613 = arith.constant 0 : i32
      %dma_wait3A_614 = arith.constant 0 : i32
      %dma_wait3A_615 = tpu.memref_slice %arg16[%dma_wait3A_613, %dma_wait3A_614] : memref<400x64xf32, #tpu.memory_space<vmem>> -> memref<200x64xf32, #tpu.memory_space<vmem>>
      %dma_wait3A_616 = arith.constant 0 : i32
      %dma_wait3A_617 = arith.constant 0 : i32
      %dma_wait3A_618 = tpu.memref_slice %arg5[%add3A_612, %dma_wait3A_616, %dma_wait3A_617] : memref<4096x200x64xf32, #tpu.memory_space<hbm>> -> memref<1x200x64xf32, #tpu.memory_space<hbm>>
      %dma_wait3A_619 = tpu.memref_squeeze %dma_wait3A_618 : memref<1x200x64xf32, #tpu.memory_space<hbm>> -> memref<200x64xf32, #tpu.memory_space<hbm>>
      %dma_wait3A_620 = arith.constant 0 : i32
      %dma_wait3A_621 = arith.constant 0 : i32
      %dma_wait3A_622 = tpu.memref_slice %arg5[%add3A_612, %dma_wait3A_620, %dma_wait3A_621] : memref<4096x200x64xf32, #tpu.memory_space<hbm>> -> memref<1x200x64xf32, #tpu.memory_space<hbm>>
      %dma_wait3A_623 = tpu.memref_squeeze %dma_wait3A_622 : memref<1x200x64xf32, #tpu.memory_space<hbm>> -> memref<200x64xf32, #tpu.memory_space<hbm>>
      %dma_wait3A_624 = arith.constant 0 : i32
      %dma_wait3A_625 = arith.constant 0 : i32
      %dma_wait3A_626 = tpu.memref_slice %arg16[%dma_wait3A_624, %dma_wait3A_625] : memref<400x64xf32, #tpu.memory_space<vmem>> -> memref<200x64xf32, #tpu.memory_space<vmem>>
      tpu.wait_dma2 semaphore(%arg28 : memref<!tpu.dma_semaphore, #tpu.memory_space<semaphore_mem>>) src(%dma_wait3A_626 : memref<200x64xf32, #tpu.memory_space<vmem>>) dst(%dma_wait3A_623 : memref<200x64xf32, #tpu.memory_space<hbm>>)
      %mul3A_627 = arith.constant 2 : i32
      %mul3A_628 = arith.muli %sub3A_607, %mul3A_627 : i32
      %add3A_629 = arith.addi %mul3A_2, %mul3A_628 : i32
      %add3A_630 = arith.constant 1 : i32
      %add3A_631 = arith.addi %add3A_629, %add3A_630 : i32
      %dma_wait3A_632 = arith.constant 200 : i32
      %dma_wait3A_633 = arith.constant 0 : i32
      %dma_wait3A_634 = tpu.memref_slice %arg16[%dma_wait3A_632, %dma_wait3A_633] : memref<400x64xf32, #tpu.memory_space<vmem>> -> memref<200x64xf32, #tpu.memory_space<vmem>>
      %dma_wait3A_635 = arith.constant 0 : i32
      %dma_wait3A_636 = arith.constant 0 : i32
      %dma_wait3A_637 = tpu.memref_slice %arg5[%add3A_631, %dma_wait3A_635, %dma_wait3A_636] : memref<4096x200x64xf32, #tpu.memory_space<hbm>> -> memref<1x200x64xf32, #tpu.memory_space<hbm>>
      %dma_wait3A_638 = tpu.memref_squeeze %dma_wait3A_637 : memref<1x200x64xf32, #tpu.memory_space<hbm>> -> memref<200x64xf32, #tpu.memory_space<hbm>>
      %dma_wait3A_639 = arith.constant 0 : i32
      %dma_wait3A_640 = arith.constant 0 : i32
      %dma_wait3A_641 = tpu.memref_slice %arg5[%add3A_631, %dma_wait3A_639, %dma_wait3A_640] : memref<4096x200x64xf32, #tpu.memory_space<hbm>> -> memref<1x200x64xf32, #tpu.memory_space<hbm>>
      %dma_wait3A_642 = tpu.memref_squeeze %dma_wait3A_641 : memref<1x200x64xf32, #tpu.memory_space<hbm>> -> memref<200x64xf32, #tpu.memory_space<hbm>>
      %dma_wait3A_643 = arith.constant 200 : i32
      %dma_wait3A_644 = arith.constant 0 : i32
      %dma_wait3A_645 = tpu.memref_slice %arg16[%dma_wait3A_643, %dma_wait3A_644] : memref<400x64xf32, #tpu.memory_space<vmem>> -> memref<200x64xf32, #tpu.memory_space<vmem>>
      tpu.wait_dma2 semaphore(%arg28 : memref<!tpu.dma_semaphore, #tpu.memory_space<semaphore_mem>>) src(%dma_wait3A_645 : memref<200x64xf32, #tpu.memory_space<vmem>>) dst(%dma_wait3A_642 : memref<200x64xf32, #tpu.memory_space<hbm>>)
      %mul3A_646 = arith.constant 2 : i32
      %mul3A_647 = arith.muli %add3A_605, %mul3A_646 : i32
      %add3A_648 = arith.addi %mul3A_2, %mul3A_647 : i32
      %mul3A_649 = arith.constant 200 : i32
      %mul3A_650 = arith.muli %add3A_648, %mul3A_649 : i32
      "tpu.region"() ({
        %run_scoped3A = tpu.sem_alloc : memref<!tpu.dma_semaphore, #tpu.memory_space<semaphore_mem>>
        %dma_start3A_818 = tpu.memref_slice %arg2[%mul3A_650] : memref<819200xi32, #tpu.memory_space<hbm>> -> memref<400xi32, #tpu.memory_space<hbm>>
        %dma_start3A_819 = tpu.memref_slice %arg2[%mul3A_650] : memref<819200xi32, #tpu.memory_space<hbm>> -> memref<400xi32, #tpu.memory_space<hbm>>
        tpu.enqueue_dma source(%dma_start3A_819 : memref<400xi32, #tpu.memory_space<hbm>>) target(%arg8 : memref<400xi32, #tpu.memory_space<vmem>>) target_semaphore(%run_scoped3A : memref<!tpu.dma_semaphore, #tpu.memory_space<semaphore_mem>>)
        %dma_wait3A_820 = tpu.memref_slice %arg2[%mul3A_650] : memref<819200xi32, #tpu.memory_space<hbm>> -> memref<400xi32, #tpu.memory_space<hbm>>
        %dma_wait3A_821 = tpu.memref_slice %arg2[%mul3A_650] : memref<819200xi32, #tpu.memory_space<hbm>> -> memref<400xi32, #tpu.memory_space<hbm>>
        tpu.wait_dma2 semaphore(%run_scoped3A : memref<!tpu.dma_semaphore, #tpu.memory_space<semaphore_mem>>) src(%dma_wait3A_821 : memref<400xi32, #tpu.memory_space<hbm>>) dst(%arg8 : memref<400xi32, #tpu.memory_space<vmem>>)
        tpu.yield
      }) : () -> ()
      %scan3A_651 = arith.constant 0 : i32
      %scan3A_652 = arith.constant 0 : i32
      %scan3A_653 = arith.constant 25 : i32
      %scan3A_654 = arith.addi %scan3A_652, %scan3A_653 : i32
      %scan3A_655 = arith.constant 1 : i32
      scf.for %scan3A_818 = %scan3A_652 to %scan3A_654 step %scan3A_655  : i32 {
        %mul3A_819 = arith.constant 16 : i32
        %mul3A_820 = arith.muli %scan3A_818, %mul3A_819 : i32
        %get3A = arith.index_cast %mul3A_820 : i32 to index
        %get3A_821 = tpu.vector_load %arg8[%get3A] {strides = array<i32>} : memref<400xi32, #tpu.memory_space<vmem>>, vector<16xi32>,
        %get3A_822 = vector.shape_cast %get3A_821 : vector<16xi32> to vector<16xi32>
        %lt3A = arith.constant 10000 : i32
        %lt3A_823 = vector.broadcast %lt3A : i32 to vector<16xi32>
        %lt3A_824 = arith.cmpi slt, %get3A_822, %lt3A_823 : vector<16xi32>
        %jit3A = arith.constant -1 : i32
        %broadcast_in_dim3A = vector.broadcast %jit3A : i32 to vector<16xi32>
        %select_n3A = arith.select %lt3A_824, %get3A_822, %broadcast_in_dim3A : vector<16xi1>, vector<16xi32>
        %swap3A = arith.index_cast %mul3A_820 : i32 to index
        %swap3A_825 = tpu.vector_load %arg12[%swap3A] {strides = array<i32>} : memref<400xi32, #tpu.memory_space<vmem>>, vector<16xi32>,
        %swap3A_826 = vector.shape_cast %swap3A_825 : vector<16xi32> to vector<16xi32>
        %swap3A_827 = vector.shape_cast %select_n3A : vector<16xi32> to vector<16xi32>
        tpu.vector_store %arg12[%swap3A], %swap3A_827 {strides = array<i32>} : memref<400xi32, #tpu.memory_space<vmem>>, vector<16xi32>,
      }
      %scan3A_656 = arith.constant 25 : i32
      %dma_start3A_657 = arith.constant 0 : i32
      %dma_start3A_658 = arith.constant 0 : i32
      %dma_start3A_659 = tpu.memref_slice %arg3[%dma_start3A_657, %dma_start3A_658] : memref<1000000x64xf32, #tpu.memory_space<hbm>> -> memref<1000000x64xf32, #tpu.memory_space<hbm>>
      tpu.enqueue_indirect_dma source(%dma_start3A_659 : memref<1000000x64xf32, #tpu.memory_space<hbm>>) target(%arg16 : memref<400x64xf32, #tpu.memory_space<vmem>>) offsets(%arg8 : memref<400xi32, #tpu.memory_space<vmem>>) semaphore(%arg20 : memref<!tpu.dma_semaphore, #tpu.memory_space<semaphore_mem>>)
      %dma_wait3A_660 = arith.constant 0 : i32
      %dma_wait3A_661 = arith.constant 0 : i32
      %dma_wait3A_662 = tpu.memref_slice %arg3[%dma_wait3A_660, %dma_wait3A_661] : memref<1000000x64xf32, #tpu.memory_space<hbm>> -> memref<1000000x64xf32, #tpu.memory_space<hbm>>
      tpu.wait_indirect_dma semaphore(%arg19 : memref<!tpu.dma_semaphore, #tpu.memory_space<semaphore_mem>>) src(%dma_wait3A_662 : memref<1000000x64xf32, #tpu.memory_space<hbm>>) dst(%arg15 : memref<400x64xf32, #tpu.memory_space<vmem>>)
      %dma_start3A_663 = arith.constant 0 : i32
      %dma_start3A_664 = arith.constant 0 : i32
      %dma_start3A_665 = tpu.memref_slice %arg4[%dma_start3A_663, %dma_start3A_664] : memref<10240x64xf32, #tpu.memory_space<hbm>> -> memref<10240x64xf32, #tpu.memory_space<hbm>>
      %dma_start3A_666 = arith.constant -1 : i32
      tpu.enqueue_indirect_dma source(%dma_start3A_665 : memref<10240x64xf32, #tpu.memory_space<hbm>>) target(%arg15 : memref<400x64xf32, #tpu.memory_space<vmem>>) offsets(%arg11 : memref<400xi32, #tpu.memory_space<vmem>>) offset_filter(%dma_start3A_666) semaphore(%arg23 : memref<!tpu.dma_semaphore, #tpu.memory_space<semaphore_mem>>) {add = true}
      %sub3A_667 = arith.constant 2 : i32
      %sub3A_668 = arith.subi %add3A_605, %sub3A_667 : i32
      %dma_wait3A_669 = arith.constant 0 : i32
      %dma_wait3A_670 = arith.constant 0 : i32
      %dma_wait3A_671 = tpu.memref_slice %arg4[%dma_wait3A_669, %dma_wait3A_670] : memref<10240x64xf32, #tpu.memory_space<hbm>> -> memref<10240x64xf32, #tpu.memory_space<hbm>>
      tpu.wait_indirect_dma semaphore(%arg22 : memref<!tpu.dma_semaphore, #tpu.memory_space<semaphore_mem>>) src(%dma_wait3A_671 : memref<10240x64xf32, #tpu.memory_space<hbm>>) dst(%arg14 : memref<400x64xf32, #tpu.memory_space<vmem>>)
      %mul3A_672 = arith.constant 2 : i32
      %mul3A_673 = arith.muli %sub3A_668, %mul3A_672 : i32
      %add3A_674 = arith.addi %mul3A_2, %mul3A_673 : i32
      %add3A_675 = arith.constant 0 : i32
      %add3A_676 = arith.addi %add3A_674, %add3A_675 : i32
      %dma_start3A_677 = arith.constant 0 : i32
      %dma_start3A_678 = arith.constant 0 : i32
      %dma_start3A_679 = tpu.memref_slice %arg14[%dma_start3A_677, %dma_start3A_678] : memref<400x64xf32, #tpu.memory_space<vmem>> -> memref<200x64xf32, #tpu.memory_space<vmem>>
      %dma_start3A_680 = arith.constant 0 : i32
      %dma_start3A_681 = arith.constant 0 : i32
      %dma_start3A_682 = tpu.memref_slice %arg5[%add3A_676, %dma_start3A_680, %dma_start3A_681] : memref<4096x200x64xf32, #tpu.memory_space<hbm>> -> memref<1x200x64xf32, #tpu.memory_space<hbm>>
      %dma_start3A_683 = tpu.memref_squeeze %dma_start3A_682 : memref<1x200x64xf32, #tpu.memory_space<hbm>> -> memref<200x64xf32, #tpu.memory_space<hbm>>
      %dma_start3A_684 = arith.constant 0 : i32
      %dma_start3A_685 = arith.constant 0 : i32
      %dma_start3A_686 = tpu.memref_slice %arg5[%add3A_676, %dma_start3A_684, %dma_start3A_685] : memref<4096x200x64xf32, #tpu.memory_space<hbm>> -> memref<1x200x64xf32, #tpu.memory_space<hbm>>
      %dma_start3A_687 = tpu.memref_squeeze %dma_start3A_686 : memref<1x200x64xf32, #tpu.memory_space<hbm>> -> memref<200x64xf32, #tpu.memory_space<hbm>>
      %dma_start3A_688 = arith.constant 0 : i32
      %dma_start3A_689 = arith.constant 0 : i32
      %dma_start3A_690 = tpu.memref_slice %arg14[%dma_start3A_688, %dma_start3A_689] : memref<400x64xf32, #tpu.memory_space<vmem>> -> memref<200x64xf32, #tpu.memory_space<vmem>>
      tpu.enqueue_dma source(%dma_start3A_690 : memref<200x64xf32, #tpu.memory_space<vmem>>) target(%dma_start3A_687 : memref<200x64xf32, #tpu.memory_space<hbm>>) target_semaphore(%arg26 : memref<!tpu.dma_semaphore, #tpu.memory_space<semaphore_mem>>)
      %mul3A_691 = arith.constant 2 : i32
      %mul3A_692 = arith.muli %sub3A_668, %mul3A_691 : i32
      %add3A_693 = arith.addi %mul3A_2, %mul3A_692 : i32
      %add3A_694 = arith.constant 1 : i32
      %add3A_695 = arith.addi %add3A_693, %add3A_694 : i32
      %dma_start3A_696 = arith.constant 200 : i32
      %dma_start3A_697 = arith.constant 0 : i32
      %dma_start3A_698 = tpu.memref_slice %arg14[%dma_start3A_696, %dma_start3A_697] : memref<400x64xf32, #tpu.memory_space<vmem>> -> memref<200x64xf32, #tpu.memory_space<vmem>>
      %dma_start3A_699 = arith.constant 0 : i32
      %dma_start3A_700 = arith.constant 0 : i32
      %dma_start3A_701 = tpu.memref_slice %arg5[%add3A_695, %dma_start3A_699, %dma_start3A_700] : memref<4096x200x64xf32, #tpu.memory_space<hbm>> -> memref<1x200x64xf32, #tpu.memory_space<hbm>>
      %dma_start3A_702 = tpu.memref_squeeze %dma_start3A_701 : memref<1x200x64xf32, #tpu.memory_space<hbm>> -> memref<200x64xf32, #tpu.memory_space<hbm>>
      %dma_start3A_703 = arith.constant 0 : i32
      %dma_start3A_704 = arith.constant 0 : i32
      %dma_start3A_705 = tpu.memref_slice %arg5[%add3A_695, %dma_start3A_703, %dma_start3A_704] : memref<4096x200x64xf32, #tpu.memory_space<hbm>> -> memref<1x200x64xf32, #tpu.memory_space<hbm>>
      %dma_start3A_706 = tpu.memref_squeeze %dma_start3A_705 : memref<1x200x64xf32, #tpu.memory_space<hbm>> -> memref<200x64xf32, #tpu.memory_space<hbm>>
      %dma_start3A_707 = arith.constant 200 : i32
      %dma_start3A_708 = arith.constant 0 : i32
      %dma_start3A_709 = tpu.memref_slice %arg14[%dma_start3A_707, %dma_start3A_708] : memref<400x64xf32, #tpu.memory_space<vmem>> -> memref<200x64xf32, #tpu.memory_space<vmem>>
      tpu.enqueue_dma source(%dma_start3A_709 : memref<200x64xf32, #tpu.memory_space<vmem>>) target(%dma_start3A_706 : memref<200x64xf32, #tpu.memory_space<hbm>>) target_semaphore(%arg26 : memref<!tpu.dma_semaphore, #tpu.memory_space<semaphore_mem>>)
      %mul3A_710 = arith.constant 4 : i32
      %mul3A_711 = arith.muli %mul3A_710, %scan3A_386 : i32
      %add3A_712 = arith.constant 3 : i32
      %add3A_713 = arith.addi %mul3A_711, %add3A_712 : i32
      %sub3A_714 = arith.constant 4 : i32
      %sub3A_715 = arith.subi %add3A_713, %sub3A_714 : i32
      %mul3A_716 = arith.constant 2 : i32
      %mul3A_717 = arith.muli %sub3A_715, %mul3A_716 : i32
      %add3A_718 = arith.addi %mul3A_2, %mul3A_717 : i32
      %add3A_719 = arith.constant 0 : i32
      %add3A_720 = arith.addi %add3A_718, %add3A_719 : i32
      %dma_wait3A_721 = arith.constant 0 : i32
      %dma_wait3A_722 = arith.constant 0 : i32
      %dma_wait3A_723 = tpu.memref_slice %arg17[%dma_wait3A_721, %dma_wait3A_722] : memref<400x64xf32, #tpu.memory_space<vmem>> -> memref<200x64xf32, #tpu.memory_space<vmem>>
      %dma_wait3A_724 = arith.constant 0 : i32
      %dma_wait3A_725 = arith.constant 0 : i32
      %dma_wait3A_726 = tpu.memref_slice %arg5[%add3A_720, %dma_wait3A_724, %dma_wait3A_725] : memref<4096x200x64xf32, #tpu.memory_space<hbm>> -> memref<1x200x64xf32, #tpu.memory_space<hbm>>
      %dma_wait3A_727 = tpu.memref_squeeze %dma_wait3A_726 : memref<1x200x64xf32, #tpu.memory_space<hbm>> -> memref<200x64xf32, #tpu.memory_space<hbm>>
      %dma_wait3A_728 = arith.constant 0 : i32
      %dma_wait3A_729 = arith.constant 0 : i32
      %dma_wait3A_730 = tpu.memref_slice %arg5[%add3A_720, %dma_wait3A_728, %dma_wait3A_729] : memref<4096x200x64xf32, #tpu.memory_space<hbm>> -> memref<1x200x64xf32, #tpu.memory_space<hbm>>
      %dma_wait3A_731 = tpu.memref_squeeze %dma_wait3A_730 : memref<1x200x64xf32, #tpu.memory_space<hbm>> -> memref<200x64xf32, #tpu.memory_space<hbm>>
      %dma_wait3A_732 = arith.constant 0 : i32
      %dma_wait3A_733 = arith.constant 0 : i32
      %dma_wait3A_734 = tpu.memref_slice %arg17[%dma_wait3A_732, %dma_wait3A_733] : memref<400x64xf32, #tpu.memory_space<vmem>> -> memref<200x64xf32, #tpu.memory_space<vmem>>
      tpu.wait_dma2 semaphore(%arg29 : memref<!tpu.dma_semaphore, #tpu.memory_space<semaphore_mem>>) src(%dma_wait3A_734 : memref<200x64xf32, #tpu.memory_space<vmem>>) dst(%dma_wait3A_731 : memref<200x64xf32, #tpu.memory_space<hbm>>)
      %mul3A_735 = arith.constant 2 : i32
      %mul3A_736 = arith.muli %sub3A_715, %mul3A_735 : i32
      %add3A_737 = arith.addi %mul3A_2, %mul3A_736 : i32
      %add3A_738 = arith.constant 1 : i32
      %add3A_739 = arith.addi %add3A_737, %add3A_738 : i32
      %dma_wait3A_740 = arith.constant 200 : i32
      %dma_wait3A_741 = arith.constant 0 : i32
      %dma_wait3A_742 = tpu.memref_slice %arg17[%dma_wait3A_740, %dma_wait3A_741] : memref<400x64xf32, #tpu.memory_space<vmem>> -> memref<200x64xf32, #tpu.memory_space<vmem>>
      %dma_wait3A_743 = arith.constant 0 : i32
      %dma_wait3A_744 = arith.constant 0 : i32
      %dma_wait3A_745 = tpu.memref_slice %arg5[%add3A_739, %dma_wait3A_743, %dma_wait3A_744] : memref<4096x200x64xf32, #tpu.memory_space<hbm>> -> memref<1x200x64xf32, #tpu.memory_space<hbm>>
      %dma_wait3A_746 = tpu.memref_squeeze %dma_wait3A_745 : memref<1x200x64xf32, #tpu.memory_space<hbm>> -> memref<200x64xf32, #tpu.memory_space<hbm>>
      %dma_wait3A_747 = arith.constant 0 : i32
      %dma_wait3A_748 = arith.constant 0 : i32
      %dma_wait3A_749 = tpu.memref_slice %arg5[%add3A_739, %dma_wait3A_747, %dma_wait3A_748] : memref<4096x200x64xf32, #tpu.memory_space<hbm>> -> memref<1x200x64xf32, #tpu.memory_space<hbm>>
      %dma_wait3A_750 = tpu.memref_squeeze %dma_wait3A_749 : memref<1x200x64xf32, #tpu.memory_space<hbm>> -> memref<200x64xf32, #tpu.memory_space<hbm>>
      %dma_wait3A_751 = arith.constant 200 : i32
      %dma_wait3A_752 = arith.constant 0 : i32
      %dma_wait3A_753 = tpu.memref_slice %arg17[%dma_wait3A_751, %dma_wait3A_752] : memref<400x64xf32, #tpu.memory_space<vmem>> -> memref<200x64xf32, #tpu.memory_space<vmem>>
      tpu.wait_dma2 semaphore(%arg29 : memref<!tpu.dma_semaphore, #tpu.memory_space<semaphore_mem>>) src(%dma_wait3A_753 : memref<200x64xf32, #tpu.memory_space<vmem>>) dst(%dma_wait3A_750 : memref<200x64xf32, #tpu.memory_space<hbm>>)
      %mul3A_754 = arith.constant 2 : i32
      %mul3A_755 = arith.muli %add3A_713, %mul3A_754 : i32
      %add3A_756 = arith.addi %mul3A_2, %mul3A_755 : i32
      %mul3A_757 = arith.constant 200 : i32
      %mul3A_758 = arith.muli %add3A_756, %mul3A_757 : i32
      "tpu.region"() ({
        %run_scoped3A = tpu.sem_alloc : memref<!tpu.dma_semaphore, #tpu.memory_space<semaphore_mem>>
        %dma_start3A_818 = tpu.memref_slice %arg2[%mul3A_758] : memref<819200xi32, #tpu.memory_space<hbm>> -> memref<400xi32, #tpu.memory_space<hbm>>
        %dma_start3A_819 = tpu.memref_slice %arg2[%mul3A_758] : memref<819200xi32, #tpu.memory_space<hbm>> -> memref<400xi32, #tpu.memory_space<hbm>>
        tpu.enqueue_dma source(%dma_start3A_819 : memref<400xi32, #tpu.memory_space<hbm>>) target(%arg9 : memref<400xi32, #tpu.memory_space<vmem>>) target_semaphore(%run_scoped3A : memref<!tpu.dma_semaphore, #tpu.memory_space<semaphore_mem>>)
        %dma_wait3A_820 = tpu.memref_slice %arg2[%mul3A_758] : memref<819200xi32, #tpu.memory_space<hbm>> -> memref<400xi32, #tpu.memory_space<hbm>>
        %dma_wait3A_821 = tpu.memref_slice %arg2[%mul3A_758] : memref<819200xi32, #tpu.memory_space<hbm>> -> memref<400xi32, #tpu.memory_space<hbm>>
        tpu.wait_dma2 semaphore(%run_scoped3A : memref<!tpu.dma_semaphore, #tpu.memory_space<semaphore_mem>>) src(%dma_wait3A_821 : memref<400xi32, #tpu.memory_space<hbm>>) dst(%arg9 : memref<400xi32, #tpu.memory_space<vmem>>)
        tpu.yield
      }) : () -> ()
      %scan3A_759 = arith.constant 0 : i32
      %scan3A_760 = arith.constant 0 : i32
      %scan3A_761 = arith.constant 25 : i32
      %scan3A_762 = arith.addi %scan3A_760, %scan3A_761 : i32
      %scan3A_763 = arith.constant 1 : i32
      scf.for %scan3A_818 = %scan3A_760 to %scan3A_762 step %scan3A_763  : i32 {
        %mul3A_819 = arith.constant 16 : i32
        %mul3A_820 = arith.muli %scan3A_818, %mul3A_819 : i32
        %get3A = arith.index_cast %mul3A_820 : i32 to index
        %get3A_821 = tpu.vector_load %arg9[%get3A] {strides = array<i32>} : memref<400xi32, #tpu.memory_space<vmem>>, vector<16xi32>,
        %get3A_822 = vector.shape_cast %get3A_821 : vector<16xi32> to vector<16xi32>
        %lt3A = arith.constant 10000 : i32
        %lt3A_823 = vector.broadcast %lt3A : i32 to vector<16xi32>
        %lt3A_824 = arith.cmpi slt, %get3A_822, %lt3A_823 : vector<16xi32>
        %jit3A = arith.constant -1 : i32
        %broadcast_in_dim3A = vector.broadcast %jit3A : i32 to vector<16xi32>
        %select_n3A = arith.select %lt3A_824, %get3A_822, %broadcast_in_dim3A : vector<16xi1>, vector<16xi32>
        %swap3A = arith.index_cast %mul3A_820 : i32 to index
        %swap3A_825 = tpu.vector_load %arg13[%swap3A] {strides = array<i32>} : memref<400xi32, #tpu.memory_space<vmem>>, vector<16xi32>,
        %swap3A_826 = vector.shape_cast %swap3A_825 : vector<16xi32> to vector<16xi32>
        %swap3A_827 = vector.shape_cast %select_n3A : vector<16xi32> to vector<16xi32>
        tpu.vector_store %arg13[%swap3A], %swap3A_827 {strides = array<i32>} : memref<400xi32, #tpu.memory_space<vmem>>, vector<16xi32>,
      }
      %scan3A_764 = arith.constant 25 : i32
      %dma_start3A_765 = arith.constant 0 : i32
      %dma_start3A_766 = arith.constant 0 : i32
      %dma_start3A_767 = tpu.memref_slice %arg3[%dma_start3A_765, %dma_start3A_766] : memref<1000000x64xf32, #tpu.memory_space<hbm>> -> memref<1000000x64xf32, #tpu.memory_space<hbm>>
      tpu.enqueue_indirect_dma source(%dma_start3A_767 : memref<1000000x64xf32, #tpu.memory_space<hbm>>) target(%arg17 : memref<400x64xf32, #tpu.memory_space<vmem>>) offsets(%arg9 : memref<400xi32, #tpu.memory_space<vmem>>) semaphore(%arg21 : memref<!tpu.dma_semaphore, #tpu.memory_space<semaphore_mem>>)
      %dma_wait3A_768 = arith.constant 0 : i32
      %dma_wait3A_769 = arith.constant 0 : i32
      %dma_wait3A_770 = tpu.memref_slice %arg3[%dma_wait3A_768, %dma_wait3A_769] : memref<1000000x64xf32, #tpu.memory_space<hbm>> -> memref<1000000x64xf32, #tpu.memory_space<hbm>>
      tpu.wait_indirect_dma semaphore(%arg20 : memref<!tpu.dma_semaphore, #tpu.memory_space<semaphore_mem>>) src(%dma_wait3A_770 : memref<1000000x64xf32, #tpu.memory_space<hbm>>) dst(%arg16 : memref<400x64xf32, #tpu.memory_space<vmem>>)
      %dma_start3A_771 = arith.constant 0 : i32
      %dma_start3A_772 = arith.constant 0 : i32
      %dma_start3A_773 = tpu.memref_slice %arg4[%dma_start3A_771, %dma_start3A_772] : memref<10240x64xf32, #tpu.memory_space<hbm>> -> memref<10240x64xf32, #tpu.memory_space<hbm>>
      %dma_start3A_774 = arith.constant -1 : i32
      tpu.enqueue_indirect_dma source(%dma_start3A_773 : memref<10240x64xf32, #tpu.memory_space<hbm>>) target(%arg16 : memref<400x64xf32, #tpu.memory_space<vmem>>) offsets(%arg12 : memref<400xi32, #tpu.memory_space<vmem>>) offset_filter(%dma_start3A_774) semaphore(%arg24 : memref<!tpu.dma_semaphore, #tpu.memory_space<semaphore_mem>>) {add = true}
      %sub3A_775 = arith.constant 2 : i32
      %sub3A_776 = arith.subi %add3A_713, %sub3A_775 : i32
      %dma_wait3A_777 = arith.constant 0 : i32
      %dma_wait3A_778 = arith.constant 0 : i32
      %dma_wait3A_779 = tpu.memref_slice %arg4[%dma_wait3A_777, %dma_wait3A_778] : memref<10240x64xf32, #tpu.memory_space<hbm>> -> memref<10240x64xf32, #tpu.memory_space<hbm>>
      tpu.wait_indirect_dma semaphore(%arg23 : memref<!tpu.dma_semaphore, #tpu.memory_space<semaphore_mem>>) src(%dma_wait3A_779 : memref<10240x64xf32, #tpu.memory_space<hbm>>) dst(%arg15 : memref<400x64xf32, #tpu.memory_space<vmem>>)
      %mul3A_780 = arith.constant 2 : i32
      %mul3A_781 = arith.muli %sub3A_776, %mul3A_780 : i32
      %add3A_782 = arith.addi %mul3A_2, %mul3A_781 : i32
      %add3A_783 = arith.constant 0 : i32
      %add3A_784 = arith.addi %add3A_782, %add3A_783 : i32
      %dma_start3A_785 = arith.constant 0 : i32
      %dma_start3A_786 = arith.constant 0 : i32
      %dma_start3A_787 = tpu.memref_slice %arg15[%dma_start3A_785, %dma_start3A_786] : memref<400x64xf32, #tpu.memory_space<vmem>> -> memref<200x64xf32, #tpu.memory_space<vmem>>
      %dma_start3A_788 = arith.constant 0 : i32
      %dma_start3A_789 = arith.constant 0 : i32
      %dma_start3A_790 = tpu.memref_slice %arg5[%add3A_784, %dma_start3A_788, %dma_start3A_789] : memref<4096x200x64xf32, #tpu.memory_space<hbm>> -> memref<1x200x64xf32, #tpu.memory_space<hbm>>
      %dma_start3A_791 = tpu.memref_squeeze %dma_start3A_790 : memref<1x200x64xf32, #tpu.memory_space<hbm>> -> memref<200x64xf32, #tpu.memory_space<hbm>>
      %dma_start3A_792 = arith.constant 0 : i32
      %dma_start3A_793 = arith.constant 0 : i32
      %dma_start3A_794 = tpu.memref_slice %arg5[%add3A_784, %dma_start3A_792, %dma_start3A_793] : memref<4096x200x64xf32, #tpu.memory_space<hbm>> -> memref<1x200x64xf32, #tpu.memory_space<hbm>>
      %dma_start3A_795 = tpu.memref_squeeze %dma_start3A_794 : memref<1x200x64xf32, #tpu.memory_space<hbm>> -> memref<200x64xf32, #tpu.memory_space<hbm>>
      %dma_start3A_796 = arith.constant 0 : i32
      %dma_start3A_797 = arith.constant 0 : i32
      %dma_start3A_798 = tpu.memref_slice %arg15[%dma_start3A_796, %dma_start3A_797] : memref<400x64xf32, #tpu.memory_space<vmem>> -> memref<200x64xf32, #tpu.memory_space<vmem>>
      tpu.enqueue_dma source(%dma_start3A_798 : memref<200x64xf32, #tpu.memory_space<vmem>>) target(%dma_start3A_795 : memref<200x64xf32, #tpu.memory_space<hbm>>) target_semaphore(%arg27 : memref<!tpu.dma_semaphore, #tpu.memory_space<semaphore_mem>>)
      %mul3A_799 = arith.constant 2 : i32
      %mul3A_800 = arith.muli %sub3A_776, %mul3A_799 : i32
      %add3A_801 = arith.addi %mul3A_2, %mul3A_800 : i32
      %add3A_802 = arith.constant 1 : i32
      %add3A_803 = arith.addi %add3A_801, %add3A_802 : i32
      %dma_start3A_804 = arith.constant 200 : i32
      %dma_start3A_805 = arith.constant 0 : i32
      %dma_start3A_806 = tpu.memref_slice %arg15[%dma_start3A_804, %dma_start3A_805] : memref<400x64xf32, #tpu.memory_space<vmem>> -> memref<200x64xf32, #tpu.memory_space<vmem>>
      %dma_start3A_807 = arith.constant 0 : i32
      %dma_start3A_808 = arith.constant 0 : i32
      %dma_start3A_809 = tpu.memref_slice %arg5[%add3A_803, %dma_start3A_807, %dma_start3A_808] : memref<4096x200x64xf32, #tpu.memory_space<hbm>> -> memref<1x200x64xf32, #tpu.memory_space<hbm>>
      %dma_start3A_810 = tpu.memref_squeeze %dma_start3A_809 : memref<1x200x64xf32, #tpu.memory_space<hbm>> -> memref<200x64xf32, #tpu.memory_space<hbm>>
      %dma_start3A_811 = arith.constant 0 : i32
      %dma_start3A_812 = arith.constant 0 : i32
      %dma_start3A_813 = tpu.memref_slice %arg5[%add3A_803, %dma_start3A_811, %dma_start3A_812] : memref<4096x200x64xf32, #tpu.memory_space<hbm>> -> memref<1x200x64xf32, #tpu.memory_space<hbm>>
      %dma_start3A_814 = tpu.memref_squeeze %dma_start3A_813 : memref<1x200x64xf32, #tpu.memory_space<hbm>> -> memref<200x64xf32, #tpu.memory_space<hbm>>
      %dma_start3A_815 = arith.constant 200 : i32
      %dma_start3A_816 = arith.constant 0 : i32
      %dma_start3A_817 = tpu.memref_slice %arg15[%dma_start3A_815, %dma_start3A_816] : memref<400x64xf32, #tpu.memory_space<vmem>> -> memref<200x64xf32, #tpu.memory_space<vmem>>
      tpu.enqueue_dma source(%dma_start3A_817 : memref<200x64xf32, #tpu.memory_space<vmem>>) target(%dma_start3A_814 : memref<200x64xf32, #tpu.memory_space<hbm>>) target_semaphore(%arg27 : memref<!tpu.dma_semaphore, #tpu.memory_space<semaphore_mem>>)
    }
    %scan3A_156 = arith.constant 15 : i32
    %dma_wait3A_157 = arith.constant 0 : i32
    %dma_wait3A_158 = arith.constant 0 : i32
    %dma_wait3A_159 = tpu.memref_slice %arg3[%dma_wait3A_157, %dma_wait3A_158] : memref<1000000x64xf32, #tpu.memory_space<hbm>> -> memref<1000000x64xf32, #tpu.memory_space<hbm>>
    tpu.wait_indirect_dma semaphore(%arg21 : memref<!tpu.dma_semaphore, #tpu.memory_space<semaphore_mem>>) src(%dma_wait3A_159 : memref<1000000x64xf32, #tpu.memory_space<hbm>>) dst(%arg17 : memref<400x64xf32, #tpu.memory_space<vmem>>)
    %dma_start3A_160 = arith.constant 0 : i32
    %dma_start3A_161 = arith.constant 0 : i32
    %dma_start3A_162 = tpu.memref_slice %arg4[%dma_start3A_160, %dma_start3A_161] : memref<10240x64xf32, #tpu.memory_space<hbm>> -> memref<10240x64xf32, #tpu.memory_space<hbm>>
    %dma_start3A_163 = arith.constant -1 : i32
    tpu.enqueue_indirect_dma source(%dma_start3A_162 : memref<10240x64xf32, #tpu.memory_space<hbm>>) target(%arg17 : memref<400x64xf32, #tpu.memory_space<vmem>>) offsets(%arg13 : memref<400xi32, #tpu.memory_space<vmem>>) offset_filter(%dma_start3A_163) semaphore(%arg25 : memref<!tpu.dma_semaphore, #tpu.memory_space<semaphore_mem>>) {add = true}
    %dma_wait3A_164 = arith.constant 0 : i32
    %dma_wait3A_165 = arith.constant 0 : i32
    %dma_wait3A_166 = tpu.memref_slice %arg4[%dma_wait3A_164, %dma_wait3A_165] : memref<10240x64xf32, #tpu.memory_space<hbm>> -> memref<10240x64xf32, #tpu.memory_space<hbm>>
    tpu.wait_indirect_dma semaphore(%arg24 : memref<!tpu.dma_semaphore, #tpu.memory_space<semaphore_mem>>) src(%dma_wait3A_166 : memref<10240x64xf32, #tpu.memory_space<hbm>>) dst(%arg16 : memref<400x64xf32, #tpu.memory_space<vmem>>)
    %add3A_167 = arith.constant 124 : i32
    %add3A_168 = arith.addi %mul3A_2, %add3A_167 : i32
    %add3A_169 = arith.constant 0 : i32
    %add3A_170 = arith.addi %add3A_168, %add3A_169 : i32
    %dma_start3A_171 = arith.constant 0 : i32
    %dma_start3A_172 = arith.constant 0 : i32
    %dma_start3A_173 = tpu.memref_slice %arg16[%dma_start3A_171, %dma_start3A_172] : memref<400x64xf32, #tpu.memory_space<vmem>> -> memref<200x64xf32, #tpu.memory_space<vmem>>
    %dma_start3A_174 = arith.constant 0 : i32
    %dma_start3A_175 = arith.constant 0 : i32
    %dma_start3A_176 = tpu.memref_slice %arg5[%add3A_170, %dma_start3A_174, %dma_start3A_175] : memref<4096x200x64xf32, #tpu.memory_space<hbm>> -> memref<1x200x64xf32, #tpu.memory_space<hbm>>
    %dma_start3A_177 = tpu.memref_squeeze %dma_start3A_176 : memref<1x200x64xf32, #tpu.memory_space<hbm>> -> memref<200x64xf32, #tpu.memory_space<hbm>>
    %dma_start3A_178 = arith.constant 0 : i32
    %dma_start3A_179 = arith.constant 0 : i32
    %dma_start3A_180 = tpu.memref_slice %arg5[%add3A_170, %dma_start3A_178, %dma_start3A_179] : memref<4096x200x64xf32, #tpu.memory_space<hbm>> -> memref<1x200x64xf32, #tpu.memory_space<hbm>>
    %dma_start3A_181 = tpu.memref_squeeze %dma_start3A_180 : memref<1x200x64xf32, #tpu.memory_space<hbm>> -> memref<200x64xf32, #tpu.memory_space<hbm>>
    %dma_start3A_182 = arith.constant 0 : i32
    %dma_start3A_183 = arith.constant 0 : i32
    %dma_start3A_184 = tpu.memref_slice %arg16[%dma_start3A_182, %dma_start3A_183] : memref<400x64xf32, #tpu.memory_space<vmem>> -> memref<200x64xf32, #tpu.memory_space<vmem>>
    tpu.enqueue_dma source(%dma_start3A_184 : memref<200x64xf32, #tpu.memory_space<vmem>>) target(%dma_start3A_181 : memref<200x64xf32, #tpu.memory_space<hbm>>) target_semaphore(%arg28 : memref<!tpu.dma_semaphore, #tpu.memory_space<semaphore_mem>>)
    %add3A_185 = arith.constant 124 : i32
    %add3A_186 = arith.addi %mul3A_2, %add3A_185 : i32
    %add3A_187 = arith.constant 1 : i32
    %add3A_188 = arith.addi %add3A_186, %add3A_187 : i32
    %dma_start3A_189 = arith.constant 200 : i32
    %dma_start3A_190 = arith.constant 0 : i32
    %dma_start3A_191 = tpu.memref_slice %arg16[%dma_start3A_189, %dma_start3A_190] : memref<400x64xf32, #tpu.memory_space<vmem>> -> memref<200x64xf32, #tpu.memory_space<vmem>>
    %dma_start3A_192 = arith.constant 0 : i32
    %dma_start3A_193 = arith.constant 0 : i32
    %dma_start3A_194 = tpu.memref_slice %arg5[%add3A_188, %dma_start3A_192, %dma_start3A_193] : memref<4096x200x64xf32, #tpu.memory_space<hbm>> -> memref<1x200x64xf32, #tpu.memory_space<hbm>>
    %dma_start3A_195 = tpu.memref_squeeze %dma_start3A_194 : memref<1x200x64xf32, #tpu.memory_space<hbm>> -> memref<200x64xf32, #tpu.memory_space<hbm>>
    %dma_start3A_196 = arith.constant 0 : i32
    %dma_start3A_197 = arith.constant 0 : i32
    %dma_start3A_198 = tpu.memref_slice %arg5[%add3A_188, %dma_start3A_196, %dma_start3A_197] : memref<4096x200x64xf32, #tpu.memory_space<hbm>> -> memref<1x200x64xf32, #tpu.memory_space<hbm>>
    %dma_start3A_199 = tpu.memref_squeeze %dma_start3A_198 : memref<1x200x64xf32, #tpu.memory_space<hbm>> -> memref<200x64xf32, #tpu.memory_space<hbm>>
    %dma_start3A_200 = arith.constant 200 : i32
    %dma_start3A_201 = arith.constant 0 : i32
    %dma_start3A_202 = tpu.memref_slice %arg16[%dma_start3A_200, %dma_start3A_201] : memref<400x64xf32, #tpu.memory_space<vmem>> -> memref<200x64xf32, #tpu.memory_space<vmem>>
    tpu.enqueue_dma source(%dma_start3A_202 : memref<200x64xf32, #tpu.memory_space<vmem>>) target(%dma_start3A_199 : memref<200x64xf32, #tpu.memory_space<hbm>>) target_semaphore(%arg28 : memref<!tpu.dma_semaphore, #tpu.memory_space<semaphore_mem>>)
    %dma_wait3A_203 = arith.constant 0 : i32
    %dma_wait3A_204 = arith.constant 0 : i32
    %dma_wait3A_205 = tpu.memref_slice %arg4[%dma_wait3A_203, %dma_wait3A_204] : memref<10240x64xf32, #tpu.memory_space<hbm>> -> memref<10240x64xf32, #tpu.memory_space<hbm>>
    tpu.wait_indirect_dma semaphore(%arg25 : memref<!tpu.dma_semaphore, #tpu.memory_space<semaphore_mem>>) src(%dma_wait3A_205 : memref<10240x64xf32, #tpu.memory_space<hbm>>) dst(%arg17 : memref<400x64xf32, #tpu.memory_space<vmem>>)
    %add3A_206 = arith.constant 126 : i32
    %add3A_207 = arith.addi %mul3A_2, %add3A_206 : i32
    %add3A_208 = arith.constant 0 : i32
    %add3A_209 = arith.addi %add3A_207, %add3A_208 : i32
    %dma_start3A_210 = arith.constant 0 : i32
    %dma_start3A_211 = arith.constant 0 : i32
    %dma_start3A_212 = tpu.memref_slice %arg17[%dma_start3A_210, %dma_start3A_211] : memref<400x64xf32, #tpu.memory_space<vmem>> -> memref<200x64xf32, #tpu.memory_space<vmem>>
    %dma_start3A_213 = arith.constant 0 : i32
    %dma_start3A_214 = arith.constant 0 : i32
    %dma_start3A_215 = tpu.memref_slice %arg5[%add3A_209, %dma_start3A_213, %dma_start3A_214] : memref<4096x200x64xf32, #tpu.memory_space<hbm>> -> memref<1x200x64xf32, #tpu.memory_space<hbm>>
    %dma_start3A_216 = tpu.memref_squeeze %dma_start3A_215 : memref<1x200x64xf32, #tpu.memory_space<hbm>> -> memref<200x64xf32, #tpu.memory_space<hbm>>
    %dma_start3A_217 = arith.constant 0 : i32
    %dma_start3A_218 = arith.constant 0 : i32
    %dma_start3A_219 = tpu.memref_slice %arg5[%add3A_209, %dma_start3A_217, %dma_start3A_218] : memref<4096x200x64xf32, #tpu.memory_space<hbm>> -> memref<1x200x64xf32, #tpu.memory_space<hbm>>
    %dma_start3A_220 = tpu.memref_squeeze %dma_start3A_219 : memref<1x200x64xf32, #tpu.memory_space<hbm>> -> memref<200x64xf32, #tpu.memory_space<hbm>>
    %dma_start3A_221 = arith.constant 0 : i32
    %dma_start3A_222 = arith.constant 0 : i32
    %dma_start3A_223 = tpu.memref_slice %arg17[%dma_start3A_221, %dma_start3A_222] : memref<400x64xf32, #tpu.memory_space<vmem>> -> memref<200x64xf32, #tpu.memory_space<vmem>>
    tpu.enqueue_dma source(%dma_start3A_223 : memref<200x64xf32, #tpu.memory_space<vmem>>) target(%dma_start3A_220 : memref<200x64xf32, #tpu.memory_space<hbm>>) target_semaphore(%arg29 : memref<!tpu.dma_semaphore, #tpu.memory_space<semaphore_mem>>)
    %add3A_224 = arith.constant 126 : i32
    %add3A_225 = arith.addi %mul3A_2, %add3A_224 : i32
    %add3A_226 = arith.constant 1 : i32
    %add3A_227 = arith.addi %add3A_225, %add3A_226 : i32
    %dma_start3A_228 = arith.constant 200 : i32
    %dma_start3A_229 = arith.constant 0 : i32
    %dma_start3A_230 = tpu.memref_slice %arg17[%dma_start3A_228, %dma_start3A_229] : memref<400x64xf32, #tpu.memory_space<vmem>> -> memref<200x64xf32, #tpu.memory_space<vmem>>
    %dma_start3A_231 = arith.constant 0 : i32
    %dma_start3A_232 = arith.constant 0 : i32
    %dma_start3A_233 = tpu.memref_slice %arg5[%add3A_227, %dma_start3A_231, %dma_start3A_232] : memref<4096x200x64xf32, #tpu.memory_space<hbm>> -> memref<1x200x64xf32, #tpu.memory_space<hbm>>
    %dma_start3A_234 = tpu.memref_squeeze %dma_start3A_233 : memref<1x200x64xf32, #tpu.memory_space<hbm>> -> memref<200x64xf32, #tpu.memory_space<hbm>>
    %dma_start3A_235 = arith.constant 0 : i32
    %dma_start3A_236 = arith.constant 0 : i32
    %dma_start3A_237 = tpu.memref_slice %arg5[%add3A_227, %dma_start3A_235, %dma_start3A_236] : memref<4096x200x64xf32, #tpu.memory_space<hbm>> -> memref<1x200x64xf32, #tpu.memory_space<hbm>>
    %dma_start3A_238 = tpu.memref_squeeze %dma_start3A_237 : memref<1x200x64xf32, #tpu.memory_space<hbm>> -> memref<200x64xf32, #tpu.memory_space<hbm>>
    %dma_start3A_239 = arith.constant 200 : i32
    %dma_start3A_240 = arith.constant 0 : i32
    %dma_start3A_241 = tpu.memref_slice %arg17[%dma_start3A_239, %dma_start3A_240] : memref<400x64xf32, #tpu.memory_space<vmem>> -> memref<200x64xf32, #tpu.memory_space<vmem>>
    tpu.enqueue_dma source(%dma_start3A_241 : memref<200x64xf32, #tpu.memory_space<vmem>>) target(%dma_start3A_238 : memref<200x64xf32, #tpu.memory_space<hbm>>) target_semaphore(%arg29 : memref<!tpu.dma_semaphore, #tpu.memory_space<semaphore_mem>>)
    %add3A_242 = arith.constant 120 : i32
    %add3A_243 = arith.addi %mul3A_2, %add3A_242 : i32
    %add3A_244 = arith.constant 0 : i32
    %add3A_245 = arith.addi %add3A_243, %add3A_244 : i32
    %dma_wait3A_246 = arith.constant 0 : i32
    %dma_wait3A_247 = arith.constant 0 : i32
    %dma_wait3A_248 = tpu.memref_slice %arg14[%dma_wait3A_246, %dma_wait3A_247] : memref<400x64xf32, #tpu.memory_space<vmem>> -> memref<200x64xf32, #tpu.memory_space<vmem>>
    %dma_wait3A_249 = arith.constant 0 : i32
    %dma_wait3A_250 = arith.constant 0 : i32
    %dma_wait3A_251 = tpu.memref_slice %arg5[%add3A_245, %dma_wait3A_249, %dma_wait3A_250] : memref<4096x200x64xf32, #tpu.memory_space<hbm>> -> memref<1x200x64xf32, #tpu.memory_space<hbm>>
    %dma_wait3A_252 = tpu.memref_squeeze %dma_wait3A_251 : memref<1x200x64xf32, #tpu.memory_space<hbm>> -> memref<200x64xf32, #tpu.memory_space<hbm>>
    %dma_wait3A_253 = arith.constant 0 : i32
    %dma_wait3A_254 = arith.constant 0 : i32
    %dma_wait3A_255 = tpu.memref_slice %arg5[%add3A_245, %dma_wait3A_253, %dma_wait3A_254] : memref<4096x200x64xf32, #tpu.memory_space<hbm>> -> memref<1x200x64xf32, #tpu.memory_space<hbm>>
    %dma_wait3A_256 = tpu.memref_squeeze %dma_wait3A_255 : memref<1x200x64xf32, #tpu.memory_space<hbm>> -> memref<200x64xf32, #tpu.memory_space<hbm>>
    %dma_wait3A_257 = arith.constant 0 : i32
    %dma_wait3A_258 = arith.constant 0 : i32
    %dma_wait3A_259 = tpu.memref_slice %arg14[%dma_wait3A_257, %dma_wait3A_258] : memref<400x64xf32, #tpu.memory_space<vmem>> -> memref<200x64xf32, #tpu.memory_space<vmem>>
    tpu.wait_dma2 semaphore(%arg26 : memref<!tpu.dma_semaphore, #tpu.memory_space<semaphore_mem>>) src(%dma_wait3A_259 : memref<200x64xf32, #tpu.memory_space<vmem>>) dst(%dma_wait3A_256 : memref<200x64xf32, #tpu.memory_space<hbm>>)
    %add3A_260 = arith.constant 120 : i32
    %add3A_261 = arith.addi %mul3A_2, %add3A_260 : i32
    %add3A_262 = arith.constant 1 : i32
    %add3A_263 = arith.addi %add3A_261, %add3A_262 : i32
    %dma_wait3A_264 = arith.constant 200 : i32
    %dma_wait3A_265 = arith.constant 0 : i32
    %dma_wait3A_266 = tpu.memref_slice %arg14[%dma_wait3A_264, %dma_wait3A_265] : memref<400x64xf32, #tpu.memory_space<vmem>> -> memref<200x64xf32, #tpu.memory_space<vmem>>
    %dma_wait3A_267 = arith.constant 0 : i32
    %dma_wait3A_268 = arith.constant 0 : i32
    %dma_wait3A_269 = tpu.memref_slice %arg5[%add3A_263, %dma_wait3A_267, %dma_wait3A_268] : memref<4096x200x64xf32, #tpu.memory_space<hbm>> -> memref<1x200x64xf32, #tpu.memory_space<hbm>>
    %dma_wait3A_270 = tpu.memref_squeeze %dma_wait3A_269 : memref<1x200x64xf32, #tpu.memory_space<hbm>> -> memref<200x64xf32, #tpu.memory_space<hbm>>
    %dma_wait3A_271 = arith.constant 0 : i32
    %dma_wait3A_272 = arith.constant 0 : i32
    %dma_wait3A_273 = tpu.memref_slice %arg5[%add3A_263, %dma_wait3A_271, %dma_wait3A_272] : memref<4096x200x64xf32, #tpu.memory_space<hbm>> -> memref<1x200x64xf32, #tpu.memory_space<hbm>>
    %dma_wait3A_274 = tpu.memref_squeeze %dma_wait3A_273 : memref<1x200x64xf32, #tpu.memory_space<hbm>> -> memref<200x64xf32, #tpu.memory_space<hbm>>
    %dma_wait3A_275 = arith.constant 200 : i32
    %dma_wait3A_276 = arith.constant 0 : i32
    %dma_wait3A_277 = tpu.memref_slice %arg14[%dma_wait3A_275, %dma_wait3A_276] : memref<400x64xf32, #tpu.memory_space<vmem>> -> memref<200x64xf32, #tpu.memory_space<vmem>>
    tpu.wait_dma2 semaphore(%arg26 : memref<!tpu.dma_semaphore, #tpu.memory_space<semaphore_mem>>) src(%dma_wait3A_277 : memref<200x64xf32, #tpu.memory_space<vmem>>) dst(%dma_wait3A_274 : memref<200x64xf32, #tpu.memory_space<hbm>>)
    %add3A_278 = arith.constant 122 : i32
    %add3A_279 = arith.addi %mul3A_2, %add3A_278 : i32
    %add3A_280 = arith.constant 0 : i32
    %add3A_281 = arith.addi %add3A_279, %add3A_280 : i32
    %dma_wait3A_282 = arith.constant 0 : i32
    %dma_wait3A_283 = arith.constant 0 : i32
    %dma_wait3A_284 = tpu.memref_slice %arg15[%dma_wait3A_282, %dma_wait3A_283] : memref<400x64xf32, #tpu.memory_space<vmem>> -> memref<200x64xf32, #tpu.memory_space<vmem>>
    %dma_wait3A_285 = arith.constant 0 : i32
    %dma_wait3A_286 = arith.constant 0 : i32
    %dma_wait3A_287 = tpu.memref_slice %arg5[%add3A_281, %dma_wait3A_285, %dma_wait3A_286] : memref<4096x200x64xf32, #tpu.memory_space<hbm>> -> memref<1x200x64xf32, #tpu.memory_space<hbm>>
    %dma_wait3A_288 = tpu.memref_squeeze %dma_wait3A_287 : memref<1x200x64xf32, #tpu.memory_space<hbm>> -> memref<200x64xf32, #tpu.memory_space<hbm>>
    %dma_wait3A_289 = arith.constant 0 : i32
    %dma_wait3A_290 = arith.constant 0 : i32
    %dma_wait3A_291 = tpu.memref_slice %arg5[%add3A_281, %dma_wait3A_289, %dma_wait3A_290] : memref<4096x200x64xf32, #tpu.memory_space<hbm>> -> memref<1x200x64xf32, #tpu.memory_space<hbm>>
    %dma_wait3A_292 = tpu.memref_squeeze %dma_wait3A_291 : memref<1x200x64xf32, #tpu.memory_space<hbm>> -> memref<200x64xf32, #tpu.memory_space<hbm>>
    %dma_wait3A_293 = arith.constant 0 : i32
    %dma_wait3A_294 = arith.constant 0 : i32
    %dma_wait3A_295 = tpu.memref_slice %arg15[%dma_wait3A_293, %dma_wait3A_294] : memref<400x64xf32, #tpu.memory_space<vmem>> -> memref<200x64xf32, #tpu.memory_space<vmem>>
    tpu.wait_dma2 semaphore(%arg27 : memref<!tpu.dma_semaphore, #tpu.memory_space<semaphore_mem>>) src(%dma_wait3A_295 : memref<200x64xf32, #tpu.memory_space<vmem>>) dst(%dma_wait3A_292 : memref<200x64xf32, #tpu.memory_space<hbm>>)
    %add3A_296 = arith.constant 122 : i32
    %add3A_297 = arith.addi %mul3A_2, %add3A_296 : i32
    %add3A_298 = arith.constant 1 : i32
    %add3A_299 = arith.addi %add3A_297, %add3A_298 : i32
    %dma_wait3A_300 = arith.constant 200 : i32
    %dma_wait3A_301 = arith.constant 0 : i32
    %dma_wait3A_302 = tpu.memref_slice %arg15[%dma_wait3A_300, %dma_wait3A_301] : memref<400x64xf32, #tpu.memory_space<vmem>> -> memref<200x64xf32, #tpu.memory_space<vmem>>
    %dma_wait3A_303 = arith.constant 0 : i32
    %dma_wait3A_304 = arith.constant 0 : i32
    %dma_wait3A_305 = tpu.memref_slice %arg5[%add3A_299, %dma_wait3A_303, %dma_wait3A_304] : memref<4096x200x64xf32, #tpu.memory_space<hbm>> -> memref<1x200x64xf32, #tpu.memory_space<hbm>>
    %dma_wait3A_306 = tpu.memref_squeeze %dma_wait3A_305 : memref<1x200x64xf32, #tpu.memory_space<hbm>> -> memref<200x64xf32, #tpu.memory_space<hbm>>
    %dma_wait3A_307 = arith.constant 0 : i32
    %dma_wait3A_308 = arith.constant 0 : i32
    %dma_wait3A_309 = tpu.memref_slice %arg5[%add3A_299, %dma_wait3A_307, %dma_wait3A_308] : memref<4096x200x64xf32, #tpu.memory_space<hbm>> -> memref<1x200x64xf32, #tpu.memory_space<hbm>>
    %dma_wait3A_310 = tpu.memref_squeeze %dma_wait3A_309 : memref<1x200x64xf32, #tpu.memory_space<hbm>> -> memref<200x64xf32, #tpu.memory_space<hbm>>
    %dma_wait3A_311 = arith.constant 200 : i32
    %dma_wait3A_312 = arith.constant 0 : i32
    %dma_wait3A_313 = tpu.memref_slice %arg15[%dma_wait3A_311, %dma_wait3A_312] : memref<400x64xf32, #tpu.memory_space<vmem>> -> memref<200x64xf32, #tpu.memory_space<vmem>>
    tpu.wait_dma2 semaphore(%arg27 : memref<!tpu.dma_semaphore, #tpu.memory_space<semaphore_mem>>) src(%dma_wait3A_313 : memref<200x64xf32, #tpu.memory_space<vmem>>) dst(%dma_wait3A_310 : memref<200x64xf32, #tpu.memory_space<hbm>>)
    %add3A_314 = arith.constant 124 : i32
    %add3A_315 = arith.addi %mul3A_2, %add3A_314 : i32
    %add3A_316 = arith.constant 0 : i32
    %add3A_317 = arith.addi %add3A_315, %add3A_316 : i32
    %dma_wait3A_318 = arith.constant 0 : i32
    %dma_wait3A_319 = arith.constant 0 : i32
    %dma_wait3A_320 = tpu.memref_slice %arg16[%dma_wait3A_318, %dma_wait3A_319] : memref<400x64xf32, #tpu.memory_space<vmem>> -> memref<200x64xf32, #tpu.memory_space<vmem>>
    %dma_wait3A_321 = arith.constant 0 : i32
    %dma_wait3A_322 = arith.constant 0 : i32
    %dma_wait3A_323 = tpu.memref_slice %arg5[%add3A_317, %dma_wait3A_321, %dma_wait3A_322] : memref<4096x200x64xf32, #tpu.memory_space<hbm>> -> memref<1x200x64xf32, #tpu.memory_space<hbm>>
    %dma_wait3A_324 = tpu.memref_squeeze %dma_wait3A_323 : memref<1x200x64xf32, #tpu.memory_space<hbm>> -> memref<200x64xf32, #tpu.memory_space<hbm>>
    %dma_wait3A_325 = arith.constant 0 : i32
    %dma_wait3A_326 = arith.constant 0 : i32
    %dma_wait3A_327 = tpu.memref_slice %arg5[%add3A_317, %dma_wait3A_325, %dma_wait3A_326] : memref<4096x200x64xf32, #tpu.memory_space<hbm>> -> memref<1x200x64xf32, #tpu.memory_space<hbm>>
    %dma_wait3A_328 = tpu.memref_squeeze %dma_wait3A_327 : memref<1x200x64xf32, #tpu.memory_space<hbm>> -> memref<200x64xf32, #tpu.memory_space<hbm>>
    %dma_wait3A_329 = arith.constant 0 : i32
    %dma_wait3A_330 = arith.constant 0 : i32
    %dma_wait3A_331 = tpu.memref_slice %arg16[%dma_wait3A_329, %dma_wait3A_330] : memref<400x64xf32, #tpu.memory_space<vmem>> -> memref<200x64xf32, #tpu.memory_space<vmem>>
    tpu.wait_dma2 semaphore(%arg28 : memref<!tpu.dma_semaphore, #tpu.memory_space<semaphore_mem>>) src(%dma_wait3A_331 : memref<200x64xf32, #tpu.memory_space<vmem>>) dst(%dma_wait3A_328 : memref<200x64xf32, #tpu.memory_space<hbm>>)
    %add3A_332 = arith.constant 124 : i32
    %add3A_333 = arith.addi %mul3A_2, %add3A_332 : i32
    %add3A_334 = arith.constant 1 : i32
    %add3A_335 = arith.addi %add3A_333, %add3A_334 : i32
    %dma_wait3A_336 = arith.constant 200 : i32
    %dma_wait3A_337 = arith.constant 0 : i32
    %dma_wait3A_338 = tpu.memref_slice %arg16[%dma_wait3A_336, %dma_wait3A_337] : memref<400x64xf32, #tpu.memory_space<vmem>> -> memref<200x64xf32, #tpu.memory_space<vmem>>
    %dma_wait3A_339 = arith.constant 0 : i32
    %dma_wait3A_340 = arith.constant 0 : i32
    %dma_wait3A_341 = tpu.memref_slice %arg5[%add3A_335, %dma_wait3A_339, %dma_wait3A_340] : memref<4096x200x64xf32, #tpu.memory_space<hbm>> -> memref<1x200x64xf32, #tpu.memory_space<hbm>>
    %dma_wait3A_342 = tpu.memref_squeeze %dma_wait3A_341 : memref<1x200x64xf32, #tpu.memory_space<hbm>> -> memref<200x64xf32, #tpu.memory_space<hbm>>
    %dma_wait3A_343 = arith.constant 0 : i32
    %dma_wait3A_344 = arith.constant 0 : i32
    %dma_wait3A_345 = tpu.memref_slice %arg5[%add3A_335, %dma_wait3A_343, %dma_wait3A_344] : memref<4096x200x64xf32, #tpu.memory_space<hbm>> -> memref<1x200x64xf32, #tpu.memory_space<hbm>>
    %dma_wait3A_346 = tpu.memref_squeeze %dma_wait3A_345 : memref<1x200x64xf32, #tpu.memory_space<hbm>> -> memref<200x64xf32, #tpu.memory_space<hbm>>
    %dma_wait3A_347 = arith.constant 200 : i32
    %dma_wait3A_348 = arith.constant 0 : i32
    %dma_wait3A_349 = tpu.memref_slice %arg16[%dma_wait3A_347, %dma_wait3A_348] : memref<400x64xf32, #tpu.memory_space<vmem>> -> memref<200x64xf32, #tpu.memory_space<vmem>>
    tpu.wait_dma2 semaphore(%arg28 : memref<!tpu.dma_semaphore, #tpu.memory_space<semaphore_mem>>) src(%dma_wait3A_349 : memref<200x64xf32, #tpu.memory_space<vmem>>) dst(%dma_wait3A_346 : memref<200x64xf32, #tpu.memory_space<hbm>>)
    %add3A_350 = arith.constant 126 : i32
    %add3A_351 = arith.addi %mul3A_2, %add3A_350 : i32
    %add3A_352 = arith.constant 0 : i32
    %add3A_353 = arith.addi %add3A_351, %add3A_352 : i32
    %dma_wait3A_354 = arith.constant 0 : i32
    %dma_wait3A_355 = arith.constant 0 : i32
    %dma_wait3A_356 = tpu.memref_slice %arg17[%dma_wait3A_354, %dma_wait3A_355] : memref<400x64xf32, #tpu.memory_space<vmem>> -> memref<200x64xf32, #tpu.memory_space<vmem>>
    %dma_wait3A_357 = arith.constant 0 : i32
    %dma_wait3A_358 = arith.constant 0 : i32
    %dma_wait3A_359 = tpu.memref_slice %arg5[%add3A_353, %dma_wait3A_357, %dma_wait3A_358] : memref<4096x200x64xf32, #tpu.memory_space<hbm>> -> memref<1x200x64xf32, #tpu.memory_space<hbm>>
    %dma_wait3A_360 = tpu.memref_squeeze %dma_wait3A_359 : memref<1x200x64xf32, #tpu.memory_space<hbm>> -> memref<200x64xf32, #tpu.memory_space<hbm>>
    %dma_wait3A_361 = arith.constant 0 : i32
    %dma_wait3A_362 = arith.constant 0 : i32
    %dma_wait3A_363 = tpu.memref_slice %arg5[%add3A_353, %dma_wait3A_361, %dma_wait3A_362] : memref<4096x200x64xf32, #tpu.memory_space<hbm>> -> memref<1x200x64xf32, #tpu.memory_space<hbm>>
    %dma_wait3A_364 = tpu.memref_squeeze %dma_wait3A_363 : memref<1x200x64xf32, #tpu.memory_space<hbm>> -> memref<200x64xf32, #tpu.memory_space<hbm>>
    %dma_wait3A_365 = arith.constant 0 : i32
    %dma_wait3A_366 = arith.constant 0 : i32
    %dma_wait3A_367 = tpu.memref_slice %arg17[%dma_wait3A_365, %dma_wait3A_366] : memref<400x64xf32, #tpu.memory_space<vmem>> -> memref<200x64xf32, #tpu.memory_space<vmem>>
    tpu.wait_dma2 semaphore(%arg29 : memref<!tpu.dma_semaphore, #tpu.memory_space<semaphore_mem>>) src(%dma_wait3A_367 : memref<200x64xf32, #tpu.memory_space<vmem>>) dst(%dma_wait3A_364 : memref<200x64xf32, #tpu.memory_space<hbm>>)
    %add3A_368 = arith.constant 126 : i32
    %add3A_369 = arith.addi %mul3A_2, %add3A_368 : i32
    %add3A_370 = arith.constant 1 : i32
    %add3A_371 = arith.addi %add3A_369, %add3A_370 : i32
    %dma_wait3A_372 = arith.constant 200 : i32
    %dma_wait3A_373 = arith.constant 0 : i32
    %dma_wait3A_374 = tpu.memref_slice %arg17[%dma_wait3A_372, %dma_wait3A_373] : memref<400x64xf32, #tpu.memory_space<vmem>> -> memref<200x64xf32, #tpu.memory_space<vmem>>
    %dma_wait3A_375 = arith.constant 0 : i32
    %dma_wait3A_376 = arith.constant 0 : i32
    %dma_wait3A_377 = tpu.memref_slice %arg5[%add3A_371, %dma_wait3A_375, %dma_wait3A_376] : memref<4096x200x64xf32, #tpu.memory_space<hbm>> -> memref<1x200x64xf32, #tpu.memory_space<hbm>>
    %dma_wait3A_378 = tpu.memref_squeeze %dma_wait3A_377 : memref<1x200x64xf32, #tpu.memory_space<hbm>> -> memref<200x64xf32, #tpu.memory_space<hbm>>
    %dma_wait3A_379 = arith.constant 0 : i32
    %dma_wait3A_380 = arith.constant 0 : i32
    %dma_wait3A_381 = tpu.memref_slice %arg5[%add3A_371, %dma_wait3A_379, %dma_wait3A_380] : memref<4096x200x64xf32, #tpu.memory_space<hbm>> -> memref<1x200x64xf32, #tpu.memory_space<hbm>>
    %dma_wait3A_382 = tpu.memref_squeeze %dma_wait3A_381 : memref<1x200x64xf32, #tpu.memory_space<hbm>> -> memref<200x64xf32, #tpu.memory_space<hbm>>
    %dma_wait3A_383 = arith.constant 200 : i32
    %dma_wait3A_384 = arith.constant 0 : i32
    %dma_wait3A_385 = tpu.memref_slice %arg17[%dma_wait3A_383, %dma_wait3A_384] : memref<400x64xf32, #tpu.memory_space<vmem>> -> memref<200x64xf32, #tpu.memory_space<vmem>>
    tpu.wait_dma2 semaphore(%arg29 : memref<!tpu.dma_semaphore, #tpu.memory_space<semaphore_mem>>) src(%dma_wait3A_385 : memref<200x64xf32, #tpu.memory_space<vmem>>) dst(%dma_wait3A_382 : memref<200x64xf32, #tpu.memory_space<hbm>>)
    return
  }
}

module attributes {stable_mosaic.version = 14 : i64} {
  func.func @_off_body(%arg0: i32, %arg1: memref<2048x1xf32, #tpu.memory_space<vmem>>, %arg2: memref<2048x1xf32, #tpu.memory_space<vmem>>, %arg3: memref<1x128xf32, #tpu.memory_space<vmem>>, %arg4: memref<1x128xf32, #tpu.memory_space<vmem>>, %arg5: memref<128x64xf32, #tpu.memory_space<vmem>>, %arg6: memref<1x64xf32, #tpu.memory_space<vmem>>, %arg7: memref<2048x64xf32, #tpu.memory_space<vmem>>) attributes {dimension_semantics = [#tpu.dimension_semantics<arbitrary>], iteration_bounds = array<i64: 5>, scalar_prefetch = 0 : i64, scratch_operands = 0 : i64, tpu.core_type = #tpu.core_type<tc>, window_params = [{transform_indices = @transform_0, window_bounds = array<i64: 2048, 1>}, {transform_indices = @transform_1, window_bounds = array<i64: 2048, 1>}, {pipeline_mode = #tpu.pipeline_mode<synchronous>, transform_indices = @transform_2, window_bounds = array<i64: 1, 128>}, {pipeline_mode = #tpu.pipeline_mode<synchronous>, transform_indices = @transform_3, window_bounds = array<i64: 1, 128>}, {pipeline_mode = #tpu.pipeline_mode<synchronous>, transform_indices = @transform_4, window_bounds = array<i64: 128, 64>}, {pipeline_mode = #tpu.pipeline_mode<synchronous>, transform_indices = @transform_5, window_bounds = array<i64: 1, 64>}, {transform_indices = @transform_6, window_bounds = array<i64: 2048, 64>}]} {
    %get3A = arith.constant 0 : index
    %get3A_0 = arith.constant 0 : index
    %get3A_1 = vector.load %arg1[%get3A, %get3A_0] : memref<2048x1xf32, #tpu.memory_space<vmem>>, vector<2048x1xf32>
    %max3A = arith.constant 1.000000e-16 : f32
    %max3A_2 = vector.broadcast %max3A : f32 to vector<2048x1xf32>
    %max3A_3 = arith.maximumf %get3A_1, %max3A_2 : vector<2048x1xf32>
    %log3A = math.log %max3A_3 : vector<2048x1xf32>
    %mul3A = arith.constant 0.434294492 : f32
    %mul3A_4 = vector.broadcast %mul3A : f32 to vector<2048x1xf32>
    %mul3A_5 = arith.mulf %log3A, %mul3A_4 : vector<2048x1xf32>
    %get3A_6 = arith.constant 0 : index
    %get3A_7 = arith.constant 0 : index
    %get3A_8 = vector.load %arg3[%get3A_6, %get3A_7] : memref<1x128xf32, #tpu.memory_space<vmem>>, vector<1x128xf32>
    %mul3A_9 = vector.broadcast %mul3A_5 : vector<2048x1xf32> to vector<2048x128xf32>
    %mul3A_10 = vector.broadcast %get3A_8 : vector<1x128xf32> to vector<2048x128xf32>
    %mul3A_11 = arith.mulf %mul3A_9, %mul3A_10 : vector<2048x128xf32>
    %get3A_12 = arith.constant 0 : index
    %get3A_13 = arith.constant 0 : index
    %get3A_14 = vector.load %arg4[%get3A_12, %get3A_13] : memref<1x128xf32, #tpu.memory_space<vmem>>, vector<1x128xf32>
    %add3A = vector.broadcast %get3A_14 : vector<1x128xf32> to vector<2048x128xf32>
    %add3A_15 = arith.addf %mul3A_11, %add3A : vector<2048x128xf32>
    %max3A_16 = arith.constant 0.000000e+00 : f32
    %max3A_17 = vector.broadcast %max3A_16 : f32 to vector<2048x128xf32>
    %max3A_18 = arith.maximumf %add3A_15, %max3A_17 : vector<2048x128xf32>
    %get3A_19 = arith.constant 0 : index
    %get3A_20 = arith.constant 0 : index
    %get3A_21 = vector.load %arg5[%get3A_19, %get3A_20] : memref<128x64xf32, #tpu.memory_space<vmem>>, vector<128x64xf32>
    %dot_general3A = arith.constant dense<0.000000e+00> : vector<2048x64xf32>
    %dot_general3A_22 = tpu.matmul %max3A_18, %get3A_21, %dot_general3A {dimension_numbers = #tpu.dot_dimension_numbers<[1], [0], [0], [1], [0, 0, 1, 1], [], []>, transpose_lhs_hint = false} : vector<2048x128xf32>, vector<128x64xf32>, vector<2048x64xf32> -> vector<2048x64xf32>
    %get3A_23 = arith.constant 0 : index
    %get3A_24 = arith.constant 0 : index
    %get3A_25 = vector.load %arg6[%get3A_23, %get3A_24] : memref<1x64xf32, #tpu.memory_space<vmem>>, vector<1x64xf32>
    %add3A_26 = vector.broadcast %get3A_25 : vector<1x64xf32> to vector<2048x64xf32>
    %add3A_27 = arith.addf %dot_general3A_22, %add3A_26 : vector<2048x64xf32>
    %get3A_28 = arith.constant 0 : index
    %get3A_29 = arith.constant 0 : index
    %get3A_30 = vector.load %arg2[%get3A_28, %get3A_29] : memref<2048x1xf32, #tpu.memory_space<vmem>>, vector<2048x1xf32>
    %mul3A_31 = vector.broadcast %get3A_30 : vector<2048x1xf32> to vector<2048x64xf32>
    %mul3A_32 = arith.mulf %add3A_27, %mul3A_31 : vector<2048x64xf32>
    %swap3A = arith.constant 0 : index
    %swap3A_33 = arith.constant 0 : index
    %swap3A_34 = vector.load %arg7[%swap3A, %swap3A_33] : memref<2048x64xf32, #tpu.memory_space<vmem>>, vector<2048x64xf32>
    tpu.vector_store %arg7[%swap3A, %swap3A_33], %mul3A_32 {strides = array<i32>} : memref<2048x64xf32, #tpu.memory_space<vmem>>, vector<2048x64xf32>,
    return
  }
  func.func @transform_0(%arg0: i32) -> (i32, i32) {
    %c0_i32 = arith.constant 0 : i32
    %c0_i32_0 = arith.constant 0 : i32
    return %arg0, %c0_i32 : i32, i32
  }
  func.func @transform_1(%arg0: i32) -> (i32, i32) {
    %c0_i32 = arith.constant 0 : i32
    %c0_i32_0 = arith.constant 0 : i32
    return %arg0, %c0_i32 : i32, i32
  }
  func.func @transform_2(%arg0: i32) -> (i32, i32) {
    %c0_i32 = arith.constant 0 : i32
    %c0_i32_0 = arith.constant 0 : i32
    %c0_i32_1 = arith.constant 0 : i32
    return %c0_i32, %c0_i32_0 : i32, i32
  }
  func.func @transform_3(%arg0: i32) -> (i32, i32) {
    %c0_i32 = arith.constant 0 : i32
    %c0_i32_0 = arith.constant 0 : i32
    %c0_i32_1 = arith.constant 0 : i32
    return %c0_i32, %c0_i32_0 : i32, i32
  }
  func.func @transform_4(%arg0: i32) -> (i32, i32) {
    %c0_i32 = arith.constant 0 : i32
    %c0_i32_0 = arith.constant 0 : i32
    %c0_i32_1 = arith.constant 0 : i32
    return %c0_i32, %c0_i32_0 : i32, i32
  }
  func.func @transform_5(%arg0: i32) -> (i32, i32) {
    %c0_i32 = arith.constant 0 : i32
    %c0_i32_0 = arith.constant 0 : i32
    %c0_i32_1 = arith.constant 0 : i32
    return %c0_i32, %c0_i32_0 : i32, i32
  }
  func.func @transform_6(%arg0: i32) -> (i32, i32) {
    %c0_i32 = arith.constant 0 : i32
    %c0_i32_0 = arith.constant 0 : i32
    return %arg0, %c0_i32 : i32, i32
  }
}

</mosaic_0001>

<sc_bundles>
// kernel: kernel.4.cloned.1.call-start
scs
__scs_entry_jumppad:
0x0: {  	(pc) =	sbr.rel $0x88, $3  }
0x1: {  	(tag) =	ssettag $0x0;
	lr =	simm.s32 $0x1  }
0x2: {  	[smem:$0x3F99] =	sst lr;
	_ =	strace $0xD0000000  }
0x3: {  	_ = 	snop  }
0x4: {  	_ = 	snop  }
0x5: {  	_ = 	snop  }
0x6: {  	_ = 	snop  }
0x7: {  	_ = 	snop  }
__scs_overlays_trampoline_lowered:
0x8: {  	[smem:$0x3FA8] =	sst s0  }
0x9: {  	[smem:$0x3FA9] =	sst s1  }
0xa: {  	[smem:$0x3FAA] =	sst s2  }
0xb: {  	[smem:$0x3FAB] =	sst s3  }
0xc: {  	[smem:$0x3FAC] =	sst s4  }
0xd: {  	[smem:$0x3FAD] =	sst s5  }
0xe: {  	[smem:$0x3FAE] =	sst s6  }
0xf: {  	[smem:$0x3FAF] =	sst s7  }
0x10: {  	[smem:$0x3FB0] =	sst s8  }
0x11: {  	[smem:$0x3FB1] =	sst s9;
	s0 =	simm.s32 @!p0 $0x0  }
0x12: {  	s1 =	sld [smem:$0x3F97];
	s0 =	simm.s32 @p0 $0x1  }
0x13: {  	[smem:$0x3FB2] =	sst s0;
	s0 =	simm.s32 @!p1 $0x0  }
0x14: {  	s2 =	sld [smem:$0x3F96];
	s0 =	simm.s32 @p1 $0x1  }
0x15: {  	[smem:$0x3FB3] =	sst s0;
	s0 =	simm.s32 @!p2 $0x0  }
0x16: {  	s3 =	sld [smem:$0x3FDB];
	s0 =	simm.s32 @p2 $0x1  }
0x17: {  	s4 =	simm.s32 $0x1BF5;
	[smem:$0x3FB5] =	sst s0  }
0x18: {  	s0 =	sld [smem:$0x3F98];
	_ =	swait.ge [sflag:s4], $0x0  }
0x19: {  	s7 =	sld [smem:$0x3F99]  }
0x1a: {  	s8 =	sadd.s32 $0xFFFFE003, lr  }
0x1b: {  	s9 =	sadd.s32 $0xFFFFFEF7, lr;
	s5 =	simm.s32 $0xFFFFFFFF;
	p2 =	slt.u32 s8, $0xFFFFF086  }
0x1c: {  	p1 =	slt.u32 s9, $0xF7A;
	s5 =	simm.s32 @!p2 $0x0  }
0x1d: {  	s5 =	simm.s32 @p1 $0x1;
	p0 =	seq.s32 s7, s2  }
0x1e: {  	s7 =	smul.u32 @!p0 $0xF7A, s2;
	p2 =	seq.s32 @!p0 s5, $0x0  }
0x1f: {  	s9 =	smul.u32 $0xF7A, s1;
	s8 =	simm.s32 @!p0 $0x1BF5;
	p2 =	por !p2, p0  }
0x20: {  	[sflag:s8] =	ssyncset.s32 @!p0 $0xFFFFF086;
	s6 =	sadd.s32 @!p0 s3, s7;
	s7 =	simm.s32 @!p0 $0x108  }
0x21: {  	s3 =	sadd.s32 s3, s9;
	s6 =	sadd.s32 @!p0 $0x88, s6;
	s7 =	simm.s32 @p2 $0x1082  }
0x22: {  	[simem:s7], [sflag:s8] =	dma.local @!p0 [hbm:s6], $0xF7A  }
0x23: {  	s9 =	sor.u32 $0xD0000000, s2;
	s6 =	simm.s32 $0x108;
	_ =	swait.ge @!p0 [sflag:s8], $0x0  }
0x24: {  	s3 =	sadd.s32 $0x88, s3;
	s6 =	simm.s32 @!p1 $0x1082;
	[sflag:s4] =	ssyncset.s32 $0xFFFFF086  }
0x25: {  	[simem:s6], [sflag:s4] =	dma.local [hbm:s3], $0xF7A  }
0x26: {  	[smem:$0x3F99] =	sst s1;
	(tag) =	ssettag s2;
	_ =	strace s9  }
0x27: {  	s1 =	sld [smem:$0x3FA9]  }
0x28: {  	s2 =	sld [smem:$0x3FAA]  }
0x29: {  	s4 =	sld [smem:$0x3FAC]  }
0x2a: {  	p0 =	seq.s32 s5, $0x0;
	s5 =	sld [smem:$0x3FAD]  }
0x2b: {  	s6 =	sld [smem:$0x3FAE]  }
0x2c: {  	s7 =	sld [smem:$0x3FAF]  }
0x2d: {  	s3 =	simm.s32 $0x108;
	s8 =	sld [smem:$0x3FB0]  }
0x2e: {  	s3 =	simm.s32 @!p0 $0x1082;
	s9 =	sld [smem:$0x3FB1]  }
0x2f: {  	lr =	sadd.s32 s0, s3;
	s0 =	sld [smem:$0x3FA8]  }
0x30: {  	s3 =	sld [smem:$0x3FAB]  }
0x31: {  	[smem:$0x3FB4] =	sst s10  }
0x32: {  	s10 =	sld [smem:$0x3FB2];
	_ =	sdelay $0x3  }
0x33: {  	p0 =	seq.s32 s10, $0x1;
	s10 =	sld [smem:$0x3FB4];
	_ =	sdelay $0x3  }
0x34: {  	[smem:$0x3FB4] =	sst s10  }
0x35: {  	s10 =	sld [smem:$0x3FB3];
	_ =	sdelay $0x3  }
0x36: {  	p1 =	seq.s32 s10, $0x1;
	s10 =	sld [smem:$0x3FB4];
	_ =	sdelay $0x3  }
0x37: {  	[smem:$0x3FB4] =	sst s10  }
0x38: {  	s10 =	sld [smem:$0x3FB5]  }
0x39: {  	_ = 	snop;
	(pc) =	sbr.ind lr, $3  }
0x3a: {  	_ = 	snop  }
0x3b: {  	_ = 	snop  }
0x3c: {  	p2 =	seq.s32 s10, $0x1;
	s10 =	sld [smem:$0x3FB4]  }
0x3d: {  	_ =	shalt  }
0x3e: {  	_ =	shalt  }
0x3f: {  	_ =	shalt  }
0x40: {  	_ =	shalt  }
0x41: {  	_ =	shalt  }
0x42: {  	_ =	shalt  }
0x43: {  	_ =	shalt  }
0x44: {  	_ =	shalt  }
0x45: {  	_ =	shalt  }
0x46: {  	_ =	shalt  }
0x47: {  	_ =	shalt  }
0x48: {  	_ =	shalt  }
0x49: {  	_ =	shalt  }
0x4a: {  	_ =	shalt  }
0x4b: {  	_ =	shalt  }
0x4c: {  	_ =	shalt  }
0x4d: {  	_ =	shalt  }
0x4e: {  	_ =	shalt  }
0x4f: {  	_ =	shalt  }
0x50: {  	_ =	shalt  }
0x51: {  	_ =	shalt  }
0x52: {  	_ =	shalt  }
0x53: {  	_ =	shalt  }
0x54: {  	_ =	shalt  }
0x55: {  	_ =	shalt  }
0x56: {  	_ =	shalt  }
0x57: {  	_ =	shalt  }
0x58: {  	_ =	shalt  }
0x59: {  	_ =	shalt  }
0x5a: {  	_ =	shalt  }
0x5b: {  	_ =	shalt  }
0x5c: {  	_ =	shalt  }
0x5d: {  	_ =	shalt  }
0x5e: {  	_ =	shalt  }
0x5f: {  	_ =	shalt  }
0x60: {  	_ =	shalt  }
0x61: {  	_ =	shalt  }
0x62: {  	_ =	shalt  }
0x63: {  	_ =	shalt  }
0x64: {  	_ =	shalt  }
0x65: {  	_ =	shalt  }
0x66: {  	_ =	shalt  }
0x67: {  	_ =	shalt  }
0x68: {  	_ =	shalt  }
0x69: {  	_ =	shalt  }
0x6a: {  	_ =	shalt  }
0x6b: {  	_ =	shalt  }
0x6c: {  	_ =	shalt  }
0x6d: {  	_ =	shalt  }
0x6e: {  	_ =	shalt  }
0x6f: {  	_ =	shalt  }
0x70: {  	_ =	shalt  }
0x71: {  	_ =	shalt  }
0x72: {  	_ =	shalt  }
0x73: {  	_ =	shalt  }
0x74: {  	_ =	shalt  }
0x75: {  	_ =	shalt  }
0x76: {  	_ =	shalt  }
0x77: {  	_ =	shalt  }
0x78: {  	_ =	shalt  }
0x79: {  	_ =	shalt  }
0x7a: {  	_ =	shalt  }
0x7b: {  	_ =	shalt  }
0x7c: {  	_ =	shalt  }
0x7d: {  	_ =	shalt  }
0x7e: {  	_ =	shalt  }
0x7f: {  	_ =	shalt  }
0x80: {  	_ =	shalt  }
0x81: {  	_ =	shalt  }
0x82: {  	_ =	shalt  }
0x83: {  	_ =	shalt  }
0x84: {  	_ =	shalt  }
0x85: {  	_ =	shalt  }
0x86: {  	_ =	shalt  }
0x87: {  	_ =	shalt  }
.Lfunc_end0:
.L_simem_size_0:
called_computation.1_lowered:
.L_overlay_start_0:
0x88: {  	s2 =	sld [smem:$0x3FD9]  }
0x89: {  	s3 =	sld [smem:$0x3FFE];
	_ =	sdelay $0x1  }
0x8a: {  	s1 =	srdreg.scid  }
0x8b: {  	s0 =	sand.u32 $0x1, s1  }
0x8c: {  	s17 =	sshll.u32 s0, $0xA;
	s2 =	sadd.s32 s3, s2  }
0x8d: {  	s2 =	sadd.s32 s2, s17  }
0x8e: {  	[smem:$0x3FC0] =	sst s2  }
0x8f: {  	_ = 	snop  }
0x90: {  	s2 =	sld [smem:$0x3FD0];
	(tm) =	ssettm $0x1  }
0x91: {  	s18 =	sld [smem:$0x3FFB];
	_ =	sdelay $0x3  }
0x92: {  	_ =	strace s18  }
0x93: {  	s3 =	sld [smem:$0x3FFC];
	_ =	sdelay $0x3  }
0x94: {  	_ =	strace s3  }
0x95: {  	s3 =	sld [smem:$0x3FFD];
	_ =	sdelay $0x3  }
0x96: {  	_ =	strace s3  }
0x97: {  	_ =	strace $0x8FFFFFFF  }
0x98: {  	s19 =	sld [smem:$0x3FDB];
	_ =	sdelay $0x1  }
0x99: {  	s4 =	simm.s32 $_scs_section_size  }
0x9a: {  	s5 =	simm.s32 $_size__tile_overlayer_lowered;
	s6 =	simm.s32 $_tile_overlayer_lowered  }
0x9b: {  	s22 =	simm.s32 $0x1BFF;
	s21 =	sshll.u32 s6, $0x1;
	s3 =	sadd.s32 s4, s19  }
0x9c: {  	s7 =	simm.s32 $0x0;
	s20 =	sshll.u32 s5, $0x1;
	s5 =	sadd.s32 s21, s3  }
0x9d: {  	[timem:s7], [sflag:s22] =	dma.local [hbm:s5], s20  }
0x9e: {  	_ =	swait.ge [sflag:s22], s20  }
0x9f: {  	s4 =	ssub.s32 $0x0, s20;
	[sflag:s22] =	ssyncset.done $0x0  }
0xa0: {  	[sflag:s22] =	ssyncadd.s32 s4;
	_ =	sdelay $0x1  }
0xa1: {  	s23 =	simm.s32 $0x1B8B  }
0xa2: {  	_ =	swait.ge [sflag:s23], $0x1  }
0xa3: {  	[sflag:s23] =	ssyncset.done $0x0  }
0xa4: {  	s25 =	simm.s32 $0x1B8E;
	s24 =	sld [smem:$0x3FFE];
	[sflag:s23] =	ssyncadd.s32 $0xFFFFFFFF  }
0xa5: {  	s26 =	simm.s32 $execute0_lowered;
	[smem:$0x3FD2] =	sst s25  }
0xa6: {  	s5 =	sshll.u32 s26, $0x1;
	_ =	strace $0x80000046;
	[dreg:$0x1] =	wrdreg $0xFFFFFFFF  }
0xa7: {  	s28 =	simm.s32 $_size_execute0_lowered;
	s3 =	sadd.s32 s3, s5;
	[dreg:$0x0] =	wrdreg $0x0  }
0xa8: {  	s5 =	sshll.u32 s28, $0x1;
	[dreg:$0x2] =	wrdreg s3  }
0xa9: {  	[dreg:$0x3] =	wrdreg s5  }
0xaa: {  	[dreg:$0x4] =	wrdreg $0xC0  }
0xab: {  	_ =	task [dreg:s7], $0x5FFFF  }
0xac: {  	[dreg:$0x1] =	wrdreg $0xFFFFFFFF  }
0xad: {  	[dreg:$0x0] =	wrdreg $0x60  }
0xae: {  	[dreg:$0x2] =	wrdreg s24  }
0xaf: {  	[dreg:$0x3] =	wrdreg s2  }
0xb0: {  	[dreg:$0x4] =	wrdreg $0x9  }
0xb1: {  	_ =	task.clear_ibuf [dreg:s7], $0x5FFFF;
	_ =	strace $0x90000046  }
0xb2: {  	s29 =	simm.s32 $0x9;
	_ =	strace $0x80000048  }
0xb3: {  	_ =	swait.ge [sflag:s29], $0x1  }
0xb4: {  	[sflag:s29] =	ssyncadd.s32 $0xFFFFFFFF  }
0xb5: {  	_ =	strace $0x90000048  }
0xb6: {  	_ =	sfence  }
0xb7: {  	s30 =	sld [smem:$0x0];
	_ =	sdelay $0x2  }
0xb8: {  	s31 =	sshll.u32 s1, $0xD;
	s1 =	sshrl.u32 s1, $0x2  }
0xb9: {  	s3 =	sand.u32 $0x4000, s31;
	s1 =	sadd.s32 s1, s30  }
0xba: {  	s0 =	sor.u32 s3, s0;
	s1 =	sshll.u32 s1, $0x11  }
0xbb: {  	s0 =	sor.u32 s1, s0  }
0xbc: {  	s0 =	sadd.s32 $0x8F2B, s0  }
0xbd: {  	[sflag:s0] =	ssyncadd.remote.s32 $0x1  }
0xbe: {  	_ =	sfence.sel $0xFFFF  }
0xbf: {  	[dreg:$0x0] =	wrdreg $0xFFFFFFFF;
	(pc) =	sbr.abs _section_cstart, $3  }
0xc0: {  	[dreg:$0x1] =	wrdreg $0xFFFFFFFF  }
0xc1: {  	_ =	task.clear_ibuf [dreg:s7], $0x2FFFF;
	_ =	strace $0x9FFFFFFF  }
0xc2: {  	(tm) =	ssettm $0x7FFFFFFF  }
0xc3: {  	_ =	shalt  }
tec
execute0_lowered:
.L_overlay_start_1:
0x0: {  	(tag) =	ssettag $0x1  }
0x1: {  	s0 =	rddreg [dreg:$0x0]  }
0x2: {  	s2 =	rddreg [dreg:$0x1];
	s1 =	srdreg.scid  }
0x3: {  	s3 =	stileid.u32;
	s16 =	simm.s32 $0x0;
	s28 =	simm.s32 $0x1  }
0x4: {  	s31 =	simm.s32 $0xD480;
	s1 =	sand.u32 $0x1, s1;
	s3 =	sshll.u32 s3, $0x1  }
0x5: {  	s29 =	simm.s32 $0xA;
	[smem:$0x7FF] =	sst s16;
	s3 =	sor.u32 s1, s3  }
0x6: {  	s4 =	sadd.s32 $0x15600, s0;
	s6 =	sadd.s32 $0xF43A00, s0;
	s8 =	smul.u32 $0xC80, s3  }
0x7: {  	s7 =	sadd.s32 $0x1600, s0;
	_ =	strace $0x80000047;
	s12 =	smul.u32 $0x6400, s3  }
0x8: {  	s1 =	ssub.s32 $0x2, s1;
	s5 =	sshll.u32 s3, $0x7;
	s15 =	smul.u32 $0x32000, s3  }
0x9: {  	s10 =	sshrl.u32 s1, $0x1;
	s3 =	smul.u32 $0x190000, s3;
	s9 =	sor.u32 $0x2, s5  }
0xa: {  	s0 =	ssub.s32 s1, s10;
	s23 =	sadd.s32 $0xFFFFFFFC, s5;
	s24 =	sadd.s32 $0xFFFFFFFE, s5  }
0xb: {  	s11 =	smul.u32 $0x19, s9;
	s13 =	sadd.s32 s4, s8;
	s1 =	sshrl.u32 s12, $0x3  }
0xc: {  	s17 =	sadd.s32 s2, s15;
	s18 =	smul.u32 $0x640, s9;
	[dreg:$0xb] =	wrdreg s23  }
0xd: {  	s20 =	sshrl.u32 s3, $0x3;
	[dreg:$0xc] =	wrdreg s24;
	s0 =	smax.u32 s0, $0x1  }
0xe: {  	s23 =	simm.s32 $0xD;
	s24 =	simm.s32 $0x190;
	[dreg:$0x3] =	wrdreg s13  }
0xf: {  	s9 =	simm.s32 $0x5;
	s12 =	simm.s32 $0x4B0;
	[dreg:$0x6] =	wrdreg s17  }
0x10: {  	s8 =	simm.s32 $0x6;
	s10 =	sadd.s32 $0x64, s13;
	[dreg:$0x11] =	wrdreg s0  }
0x11: {  	s15 =	simm.s32 $0xB;
	s19 =	sadd.s32 $0x640, s17;
	[dreg:$0x5] =	wrdreg s10  }
0x12: {  	s1 =	sadd.s32 s4, s1;
	s22 =	sadd.s32 $0x12C0, s17;
	[dreg:$0x7] =	wrdreg s19  }
0x13: {  	s0 =	simm.s32 $0x2;
	s14 =	sadd.s32 s4, s11;
	[dreg:$0xa] =	wrdreg s22  }
0x14: {  	s13 =	simm.s32 $0x13880;
	s1 =	sadd.s32 $0x96, s1;
	[dreg:$0x4] =	wrdreg s14  }
0x15: {  	s21 =	sadd.s32 s2, s18;
	[dreg:$0x8] =	wrdreg s1;
	s1 =	sadd.s32 s2, s20  }
0x16: {  	s19 =	simm.s32 $0x9;
	[dreg:$0x9] =	wrdreg s21;
	s25 =	sadd.s32 $0x30700, s1  }
0x17: {  	s22 =	simm.s32 $0x7;
	s26 =	sadd.s32 $0x30D40, s1;
	[dreg:$0xd] =	wrdreg s25  }
0x18: {  	s18 =	simm.s32 $0xC;
	s30 =	sadd.s32 $0x31380, s1;
	[dreg:$0xe] =	wrdreg s26  }
0x19: {  	s10 =	simm.s32 $0x0;
	s1 =	sadd.s32 $0x319C0, s1;
	[dreg:$0xf] =	wrdreg s30  }
0x1a: {  	s14 =	simm.s32 $0x3;
	s20 =	simm.s32 $0x4;
	[dreg:$0x10] =	wrdreg s1  }
0x1b: {  	s25 =	simm.s32 $0xC80;
	s26 =	simm.s32 $0x7080;
	s1 =	simm.s32 $0x8  }
.LBB2_1:
0x1c: {  	[dreg:$0x12] =	wrdreg s10  }
0x1d: {  	s3 =	rddreg [dreg:$0x3]  }
0x1e: {  	[tilespmem:s16], [sflag:$0xD] =	stream.linear.gather [hbm4b:s3+s16], $0x190, $0x38;
	[tilespmem:$0x19C80] =	vst v63  }
0x1f: {  	_ =	swait.ge [sflag:s23], $0x190  }
0x20: {  	[sflag:s23] =	ssyncset.done $0x0  }
0x21: {  	s10 =	simm.s32 $0x0;
	[sflag:s23] =	ssyncadd.s32 $0xFFFFFE70  }
0x22: {  	v0 =	vld [tilespmem:s10+$0x0]  }
0x23: {  	s11 =	simm.s32 $0x40  }
.LBB2_2:
0x24: {  	p0 =	sne.s32 s11, $0x600  }
.Ltmp0:
0x25: {  	_ = 	snop;
	(pc) =	sbr.rel @p0 .LBB2_2-.Ltmp0, $4  }
0x26: {  	_ = 	snop  }
0x27: {  	s3 =	sshra.s32 s11, $0x2;
	s11 =	sadd.s32 $0x40, s11;
	vm0 =	vlt.s32 v0, $0x2710  }
0x28: {  	v1 =	vnsel vm0, $0xFFFFFFFF, v0;
	v0 =	vld [tilespmem:s3+$0x0]  }
0x29: {  	[tilespmem:s10+$0x640] =	vst v1;
	s10 =	smov.u32 s3  }
0x2a: {  	_ =	sdelay $0x2  }
0x2b: {  	vm0 =	vlt.s32 v0, $0x2710  }
0x2c: {  	v0 =	vnsel vm0, $0xFFFFFFFF, v0  }
0x2d: {  	s3 =	simm.s32 $0x0;
	[tilespmem:s10+$0x640] =	vst v0  }
0x2e: {  	[tilespmem:s25], [sflag:$0x1] =	stream.indirect.gather [hbm4b:s6+s24], $0x40, s3, s24, $0xb8;
	[tilespmem:$0x19C80] =	vst v63  }
0x2f: {  	s30 =	rddreg [dreg:$0x4]  }
0x30: {  	[tilespmem:s24], [sflag:$0xD] =	stream.linear.gather [hbm4b:s30+s3], $0x190, $0x38;
	[tilespmem:$0x19C80] =	vst v63  }
0x31: {  	_ =	swait.ge [sflag:s23], $0x190  }
0x32: {  	[sflag:s23] =	ssyncset.done $0x0  }
0x33: {  	s10 =	simm.s32 $0x0;
	[sflag:s23] =	ssyncadd.s32 $0xFFFFFE70  }
0x34: {  	v0 =	vld [tilespmem:s10+$0x190]  }
0x35: {  	s11 =	simm.s32 $0x40  }
.LBB2_4:
0x36: {  	p0 =	sne.s32 s11, $0x600  }
.Ltmp1:
0x37: {  	_ = 	snop;
	(pc) =	sbr.rel @p0 .LBB2_4-.Ltmp1, $4  }
0x38: {  	_ = 	snop  }
0x39: {  	s3 =	sshra.s32 s11, $0x2;
	s11 =	sadd.s32 $0x40, s11;
	vm0 =	vlt.s32 v0, $0x2710  }
0x3a: {  	v1 =	vnsel vm0, $0xFFFFFFFF, v0;
	v0 =	vld [tilespmem:s3+$0x190]  }
0x3b: {  	[tilespmem:s10+$0x7D0] =	vst v1;
	s10 =	smov.u32 s3  }
0x3c: {  	_ =	sdelay $0x2  }
0x3d: {  	vm0 =	vlt.s32 v0, $0x2710  }
0x3e: {  	v0 =	vnsel vm0, $0xFFFFFFFF, v0  }
0x3f: {  	[tilespmem:s10+$0x7D0] =	vst v0  }
0x40: {  	[tilespmem:s26], [sflag:$0x2] =	stream.indirect.gather [hbm4b:s6+s24], $0x40, s24, s24, $0xb8;
	[tilespmem:$0x19C80] =	vst v63  }
0x41: {  	_ =	swait.ge [sflag:s28], $0x6400  }
0x42: {  	[sflag:s28] =	ssyncset.done $0x0  }
0x43: {  	s3 =	simm.s32 $0x640;
	[sflag:s28] =	ssyncadd.s32 $0xFFFF9C00;
	(ifvalue) =	ssetifvalue $0xFFFFFFFF  }
0x44: {  	[tilespmem:s25], [sflag:$0x5] =	stream.indirect.gather.add.f32 [hbm:s7], $0x40, s3, s24, $0x40b8;
	[tilespmem:$0x19C80] =	vst v63  }
0x45: {  	s21 =	simm.s32 $0x0;
	s11 =	simm.s32 $0x320;
	s30 =	rddreg [dreg:$0x5]  }
0x46: {  	[tilespmem:s11], [sflag:$0xD] =	stream.linear.gather [hbm4b:s30+s21], $0x190, $0x38;
	[tilespmem:$0x19C80] =	vst v63  }
0x47: {  	_ =	swait.ge [sflag:s23], $0x190  }
0x48: {  	[sflag:s23] =	ssyncset.done $0x0  }
0x49: {  	s10 =	simm.s32 $0x0;
	[sflag:s23] =	ssyncadd.s32 $0xFFFFFE70  }
0x4a: {  	v0 =	vld [tilespmem:s10+$0x320]  }
0x4b: {  	s11 =	simm.s32 $0x40  }
.LBB2_6:
0x4c: {  	p0 =	sne.s32 s11, $0x600  }
.Ltmp2:
0x4d: {  	_ = 	snop;
	(pc) =	sbr.rel @p0 .LBB2_6-.Ltmp2, $4  }
0x4e: {  	_ = 	snop  }
0x4f: {  	s3 =	sshra.s32 s11, $0x2;
	s11 =	sadd.s32 $0x40, s11;
	vm0 =	vlt.s32 v0, $0x2710  }
0x50: {  	v1 =	vnsel vm0, $0xFFFFFFFF, v0;
	v0 =	vld [tilespmem:s3+$0x320]  }
0x51: {  	[tilespmem:s10+$0x960] =	vst v1;
	s10 =	smov.u32 s3  }
0x52: {  	_ =	sdelay $0x2  }
0x53: {  	vm0 =	vlt.s32 v0, $0x2710  }
0x54: {  	v0 =	vnsel vm0, $0xFFFFFFFF, v0  }
0x55: {  	s3 =	simm.s32 $0x320;
	[tilespmem:s10+$0x960] =	vst v0  }
0x56: {  	[tilespmem:s31], [sflag:$0x3] =	stream.indirect.gather [hbm4b:s6+s24], $0x40, s3, s24, $0xb8;
	[tilespmem:$0x19C80] =	vst v63  }
0x57: {  	_ =	swait.ge [sflag:s0], $0x6400  }
0x58: {  	[sflag:s0] =	ssyncset.done $0x0  }
0x59: {  	s11 =	simm.s32 $0x7D0;
	[sflag:s0] =	ssyncadd.s32 $0xFFFF9C00;
	(ifvalue) =	ssetifvalue $0xFFFFFFFF  }
0x5a: {  	[tilespmem:s26], [sflag:$0x6] =	stream.indirect.gather.add.f32 [hbm:s7], $0x40, s11, s24, $0x40b8;
	[tilespmem:$0x19C80] =	vst v63  }
0x5b: {  	_ =	swait.ge [sflag:s9], $0x6400  }
0x5c: {  	[sflag:s9] =	ssyncset.done $0x0  }
0x5d: {  	s3 =	simm.s32 $0x0;
	s17 =	rddreg [dreg:$0x6];
	[sflag:s9] =	ssyncadd.s32 $0xFFFF9C00  }
0x5e: {  	[hbm4b:s17+s3] =	stream.linear.scatter [tilespmem:s25], [sflag:$0x9], $0x3200, $0x38;
	[tilespmem:$0x19C80] =	vst v63  }
0x5f: {  	s11 =	simm.s32 $0x3E80;
	s21 =	rddreg [dreg:$0x7]  }
0x60: {  	[hbm4b:s21+s3] =	stream.linear.scatter [tilespmem:s11], [sflag:$0x9], $0x3200, $0x38;
	[tilespmem:$0x19C80] =	vst v63  }
0x61: {  	s30 =	rddreg [dreg:$0x8]  }
0x62: {  	[tilespmem:s12], [sflag:$0xD] =	stream.linear.gather [hbm4b:s30+s3], $0x190, $0x38;
	[tilespmem:$0x19C80] =	vst v63  }
0x63: {  	_ =	swait.ge [sflag:s23], $0x190  }
0x64: {  	[sflag:s23] =	ssyncset.done $0x0  }
0x65: {  	s10 =	simm.s32 $0x0;
	[sflag:s23] =	ssyncadd.s32 $0xFFFFFE70  }
0x66: {  	v0 =	vld [tilespmem:s10+$0x4B0]  }
0x67: {  	s11 =	simm.s32 $0x40  }
.LBB2_8:
0x68: {  	p0 =	sne.s32 s11, $0x600  }
.Ltmp3:
0x69: {  	_ = 	snop;
	(pc) =	sbr.rel @p0 .LBB2_8-.Ltmp3, $4  }
0x6a: {  	_ = 	snop  }
0x6b: {  	s3 =	sshra.s32 s11, $0x2;
	s11 =	sadd.s32 $0x40, s11;
	vm0 =	vlt.s32 v0, $0x2710  }
0x6c: {  	v1 =	vnsel vm0, $0xFFFFFFFF, v0;
	v0 =	vld [tilespmem:s3+$0x4B0]  }
0x6d: {  	[tilespmem:s10+$0xAF0] =	vst v1;
	s10 =	smov.u32 s3  }
0x6e: {  	_ =	sdelay $0x2  }
0x6f: {  	vm0 =	vlt.s32 v0, $0x2710  }
0x70: {  	v0 =	vnsel vm0, $0xFFFFFFFF, v0  }
0x71: {  	[tilespmem:s10+$0xAF0] =	vst v0  }
0x72: {  	[tilespmem:s13], [sflag:$0x4] =	stream.indirect.gather [hbm4b:s6+s24], $0x40, s12, s24, $0xb8;
	[tilespmem:$0x19C80] =	vst v63  }
0x73: {  	_ =	swait.ge [sflag:s14], $0x6400  }
0x74: {  	[sflag:s14] =	ssyncset.done $0x0  }
0x75: {  	s3 =	simm.s32 $0x960;
	[sflag:s14] =	ssyncadd.s32 $0xFFFF9C00;
	(ifvalue) =	ssetifvalue $0xFFFFFFFF  }
0x76: {  	[tilespmem:s31], [sflag:$0x7] =	stream.indirect.gather.add.f32 [hbm:s7], $0x40, s3, s24, $0x40b8;
	[tilespmem:$0x19C80] =	vst v63  }
0x77: {  	_ =	swait.ge [sflag:s8], $0x6400  }
0x78: {  	[sflag:s8] =	ssyncset.done $0x0  }
0x79: {  	s17 =	rddreg [dreg:$0x9];
	[sflag:s8] =	ssyncadd.s32 $0xFFFF9C00  }
0x7a: {  	[hbm4b:s17+s16] =	stream.linear.scatter [tilespmem:s26], [sflag:$0xA], $0x3200, $0x38;
	[tilespmem:$0x19C80] =	vst v63  }
0x7b: {  	s30 =	simm.s32 $0xA280;
	s21 =	rddreg [dreg:$0xa]  }
0x7c: {  	[hbm4b:s21+s16] =	stream.linear.scatter [tilespmem:s30], [sflag:$0xA], $0x3200, $0x38;
	[tilespmem:$0x19C80] =	vst v63  }
0x7d: {  	s21 =	simm.s32 $0x1  }
.LBB2_10:
0x7e: {  	_ =	swait.ge [sflag:s19], $0x3200  }
0x7f: {  	s16 =	sshll.u32 s21, $0x3;
	[sflag:s19] =	ssyncset.done $0x0  }
0x80: {  	s11 =	sor.u32 s5, s16;
	[sflag:s19] =	ssyncadd.s32 $0xFFFFCE00  }
0x81: {  	s3 =	smul.u32 $0x19, s11;
	_ =	swait.ge [sflag:s19], $0x3200  }
0x82: {  	[sflag:s19] =	ssyncset.done $0x0  }
0x83: {  	s10 =	simm.s32 $0x0;
	s3 =	sadd.s32 s4, s3;
	[sflag:s19] =	ssyncadd.s32 $0xFFFFCE00  }
0x84: {  	[tilespmem:s10], [sflag:$0xD] =	stream.linear.gather [hbm4b:s3+s10], $0x190, $0x38;
	[tilespmem:$0x19C80] =	vst v63  }
0x85: {  	_ =	swait.ge [sflag:s23], $0x190  }
0x86: {  	[sflag:s23] =	ssyncset.done $0x0  }
0x87: {  	s10 =	simm.s32 $0x0;
	[sflag:s23] =	ssyncadd.s32 $0xFFFFFE70  }
0x88: {  	v0 =	vld [tilespmem:s10+$0x0]  }
0x89: {  	s17 =	simm.s32 $0x40  }
.LBB2_11:
0x8a: {  	p0 =	sne.s32 s17, $0x600  }
.Ltmp4:
0x8b: {  	_ = 	snop;
	(pc) =	sbr.rel @p0 .LBB2_11-.Ltmp4, $4  }
0x8c: {  	_ = 	snop  }
0x8d: {  	s3 =	sshra.s32 s17, $0x2;
	s17 =	sadd.s32 $0x40, s17;
	vm0 =	vlt.s32 v0, $0x2710  }
0x8e: {  	v1 =	vnsel vm0, $0xFFFFFFFF, v0;
	v0 =	vld [tilespmem:s3+$0x0]  }
0x8f: {  	[tilespmem:s10+$0x640] =	vst v1;
	s10 =	smov.u32 s3  }
0x90: {  	_ =	sdelay $0x2  }
0x91: {  	vm0 =	vlt.s32 v0, $0x2710  }
0x92: {  	v0 =	vnsel vm0, $0xFFFFFFFF, v0  }
0x93: {  	s3 =	simm.s32 $0x0;
	[tilespmem:s10+$0x640] =	vst v0  }
0x94: {  	[tilespmem:s25], [sflag:$0x1] =	stream.indirect.gather [hbm4b:s6+s24], $0x40, s3, s24, $0xb8;
	[tilespmem:$0x19C80] =	vst v63  }
0x95: {  	_ =	swait.ge [sflag:s20], $0x6400  }
0x96: {  	[sflag:s20] =	ssyncset.done $0x0  }
0x97: {  	s30 =	simm.s32 $0xAF0;
	[sflag:s20] =	ssyncadd.s32 $0xFFFF9C00;
	(ifvalue) =	ssetifvalue $0xFFFFFFFF  }
0x98: {  	[tilespmem:s13], [sflag:$0x8] =	stream.indirect.gather.add.f32 [hbm:s7], $0x40, s30, s24, $0x40b8;
	[tilespmem:$0x19C80] =	vst v63  }
0x99: {  	s17 =	rddreg [dreg:$0xb]  }
0x9a: {  	s10 =	sadd.s32 s16, s17  }
0x9b: {  	s10 =	smul.u32 $0x3200, s10  }
0x9c: {  	_ =	swait.ge [sflag:s22], $0x6400  }
0x9d: {  	[sflag:s22] =	ssyncset.done $0x0;
	s10 =	sshrl.u32 s10, $0x3  }
0x9e: {  	[sflag:s22] =	ssyncadd.s32 $0xFFFF9C00;
	s10 =	sadd.s32 s2, s10  }
0x9f: {  	[hbm4b:s10+s3] =	stream.linear.scatter [tilespmem:s31], [sflag:$0xB], $0x3200, $0x38;
	[tilespmem:$0x19C80] =	vst v63  }
0xa0: {  	s17 =	simm.s32 $0x10680;
	s10 =	sadd.s32 $0x640, s10  }
0xa1: {  	[hbm4b:s10+s3] =	stream.linear.scatter [tilespmem:s17], [sflag:$0xB], $0x3200, $0x38;
	[tilespmem:$0x19C80] =	vst v63  }
0xa2: {  	_ =	swait.ge [sflag:s29], $0x3200  }
0xa3: {  	[sflag:s29] =	ssyncset.done $0x0  }
0xa4: {  	s10 =	sor.u32 $0x2, s11;
	[sflag:s29] =	ssyncadd.s32 $0xFFFFCE00  }
0xa5: {  	s30 =	smul.u32 $0x19, s10;
	_ =	swait.ge [sflag:s29], $0x3200  }
0xa6: {  	[sflag:s29] =	ssyncset.done $0x0  }
0xa7: {  	s17 =	sadd.s32 s4, s30;
	[sflag:s29] =	ssyncadd.s32 $0xFFFFCE00  }
0xa8: {  	[tilespmem:s24], [sflag:$0xD] =	stream.linear.gather [hbm4b:s17+s3], $0x190, $0x38;
	[tilespmem:$0x19C80] =	vst v63  }
0xa9: {  	_ =	swait.ge [sflag:s23], $0x190  }
0xaa: {  	[sflag:s23] =	ssyncset.done $0x0  }
0xab: {  	s17 =	simm.s32 $0x0;
	[sflag:s23] =	ssyncadd.s32 $0xFFFFFE70  }
0xac: {  	v0 =	vld [tilespmem:s17+$0x190]  }
0xad: {  	s3 =	simm.s32 $0x40  }
.LBB2_13:
0xae: {  	p0 =	sne.s32 s3, $0x600  }
.Ltmp5:
0xaf: {  	_ = 	snop;
	(pc) =	sbr.rel @p0 .LBB2_13-.Ltmp5, $4  }
0xb0: {  	_ = 	snop  }
0xb1: {  	s30 =	sshra.s32 s3, $0x2;
	s3 =	sadd.s32 $0x40, s3;
	vm0 =	vlt.s32 v0, $0x2710  }
0xb2: {  	v1 =	vnsel vm0, $0xFFFFFFFF, v0;
	v0 =	vld [tilespmem:s30+$0x190]  }
0xb3: {  	[tilespmem:s17+$0x7D0] =	vst v1;
	s17 =	smov.u32 s30  }
0xb4: {  	_ =	sdelay $0x2  }
0xb5: {  	vm0 =	vlt.s32 v0, $0x2710  }
0xb6: {  	v0 =	vnsel vm0, $0xFFFFFFFF, v0  }
0xb7: {  	[tilespmem:s17+$0x7D0] =	vst v0  }
0xb8: {  	[tilespmem:s26], [sflag:$0x2] =	stream.indirect.gather [hbm4b:s6+s24], $0x40, s24, s24, $0xb8;
	[tilespmem:$0x19C80] =	vst v63  }
0xb9: {  	_ =	swait.ge [sflag:s28], $0x6400  }
0xba: {  	[sflag:s28] =	ssyncset.done $0x0  }
0xbb: {  	s3 =	simm.s32 $0x640;
	[sflag:s28] =	ssyncadd.s32 $0xFFFF9C00;
	(ifvalue) =	ssetifvalue $0xFFFFFFFF  }
0xbc: {  	[tilespmem:s25], [sflag:$0x5] =	stream.indirect.gather.add.f32 [hbm:s7], $0x40, s3, s24, $0x40b8;
	[tilespmem:$0x19C80] =	vst v63  }
0xbd: {  	s17 =	rddreg [dreg:$0xc]  }
0xbe: {  	s3 =	sadd.s32 s16, s17  }
0xbf: {  	s3 =	smul.u32 $0x3200, s3  }
0xc0: {  	_ =	swait.ge [sflag:s1], $0x6400  }
0xc1: {  	[sflag:s1] =	ssyncset.done $0x0;
	s3 =	sshrl.u32 s3, $0x3  }
0xc2: {  	s17 =	simm.s32 $0x0;
	[sflag:s1] =	ssyncadd.s32 $0xFFFF9C00;
	s3 =	sadd.s32 s2, s3  }
0xc3: {  	[hbm4b:s3+s17] =	stream.linear.scatter [tilespmem:s13], [sflag:$0xC], $0x3200, $0x38;
	[tilespmem:$0x19C80] =	vst v63  }
0xc4: {  	s30 =	simm.s32 $0x16A80;
	s3 =	sadd.s32 $0x640, s3  }
0xc5: {  	[hbm4b:s3+s17] =	stream.linear.scatter [tilespmem:s30], [sflag:$0xC], $0x3200, $0x38;
	[tilespmem:$0x19C80] =	vst v63  }
0xc6: {  	_ =	swait.ge [sflag:s15], $0x3200  }
0xc7: {  	s30 =	sadd.s32 s16, s5;
	[sflag:s15] =	ssyncset.done $0x0  }
0xc8: {  	s3 =	smul.u32 $0x19, s30;
	[sflag:s15] =	ssyncadd.s32 $0xFFFFCE00  }
0xc9: {  	_ =	swait.ge [sflag:s15], $0x3200  }
0xca: {  	s16 =	sadd.s32 s4, s3;
	[sflag:s15] =	ssyncset.done $0x0  }
0xcb: {  	s30 =	simm.s32 $0x320;
	s3 =	sadd.s32 $0x64, s16;
	[sflag:s15] =	ssyncadd.s32 $0xFFFFCE00  }
0xcc: {  	[tilespmem:s30], [sflag:$0xD] =	stream.linear.gather [hbm4b:s3+s17], $0x190, $0x38;
	[tilespmem:$0x19C80] =	vst v63  }
0xcd: {  	_ =	swait.ge [sflag:s23], $0x190  }
0xce: {  	[sflag:s23] =	ssyncset.done $0x0  }
0xcf: {  	s17 =	simm.s32 $0x0;
	[sflag:s23] =	ssyncadd.s32 $0xFFFFFE70  }
0xd0: {  	v0 =	vld [tilespmem:s17+$0x320]  }
0xd1: {  	s3 =	simm.s32 $0x40  }
.LBB2_15:
0xd2: {  	p0 =	sne.s32 s3, $0x600  }
.Ltmp6:
0xd3: {  	_ = 	snop;
	(pc) =	sbr.rel @p0 .LBB2_15-.Ltmp6, $4  }
0xd4: {  	_ = 	snop  }
0xd5: {  	s30 =	sshra.s32 s3, $0x2;
	s3 =	sadd.s32 $0x40, s3;
	vm0 =	vlt.s32 v0, $0x2710  }
0xd6: {  	v1 =	vnsel vm0, $0xFFFFFFFF, v0;
	v0 =	vld [tilespmem:s30+$0x320]  }
0xd7: {  	[tilespmem:s17+$0x960] =	vst v1;
	s17 =	smov.u32 s30  }
0xd8: {  	_ =	sdelay $0x2  }
0xd9: {  	vm0 =	vlt.s32 v0, $0x2710  }
0xda: {  	v0 =	vnsel vm0, $0xFFFFFFFF, v0  }
0xdb: {  	s3 =	simm.s32 $0x320;
	[tilespmem:s17+$0x960] =	vst v0  }
0xdc: {  	[tilespmem:s31], [sflag:$0x3] =	stream.indirect.gather [hbm4b:s6+s24], $0x40, s3, s24, $0xb8;
	[tilespmem:$0x19C80] =	vst v63  }
0xdd: {  	_ =	swait.ge [sflag:s0], $0x6400  }
0xde: {  	s30 =	simm.s32 $0x7D0;
	[sflag:s0] =	ssyncset.done $0x0  }
0xdf: {  	s17 =	smul.u32 $0x640, s11;
	[sflag:s0] =	ssyncadd.s32 $0xFFFF9C00;
	(ifvalue) =	ssetifvalue $0xFFFFFFFF  }
0xe0: {  	[tilespmem:s26], [sflag:$0x6] =	stream.indirect.gather.add.f32 [hbm:s7], $0x40, s30, s24, $0x40b8;
	[tilespmem:$0x19C80] =	vst v63  }
0xe1: {  	s30 =	smul.u32 $0x3200, s11;
	_ =	swait.ge [sflag:s9], $0x6400  }
0xe2: {  	s3 =	sadd.s32 s2, s17;
	[sflag:s9] =	ssyncset.done $0x0  }
0xe3: {  	s17 =	simm.s32 $0x0;
	s11 =	sshrl.u32 s30, $0x3;
	[sflag:s9] =	ssyncadd.s32 $0xFFFF9C00  }
0xe4: {  	[hbm4b:s3+s17] =	stream.linear.scatter [tilespmem:s25], [sflag:$0x9], $0x3200, $0x38;
	[tilespmem:$0x19C80] =	vst v63  }
0xe5: {  	s3 =	sadd.s32 s2, s11  }
0xe6: {  	s30 =	simm.s32 $0x3E80;
	s3 =	sadd.s32 $0x640, s3  }
0xe7: {  	[hbm4b:s3+s17] =	stream.linear.scatter [tilespmem:s30], [sflag:$0x9], $0x3200, $0x38;
	[tilespmem:$0x19C80] =	vst v63  }
0xe8: {  	_ =	swait.ge [sflag:s18], $0x3200  }
0xe9: {  	[sflag:s18] =	ssyncset.done $0x0  }
0xea: {  	[sflag:s18] =	ssyncadd.s32 $0xFFFFCE00  }
0xeb: {  	_ =	swait.ge [sflag:s18], $0x3200  }
0xec: {  	[sflag:s18] =	ssyncset.done $0x0  }
0xed: {  	s30 =	sadd.s32 $0x96, s16;
	[sflag:s18] =	ssyncadd.s32 $0xFFFFCE00  }
0xee: {  	[tilespmem:s12], [sflag:$0xD] =	stream.linear.gather [hbm4b:s30+s17], $0x190, $0x38;
	[tilespmem:$0x19C80] =	vst v63  }
0xef: {  	_ =	swait.ge [sflag:s23], $0x190  }
0xf0: {  	[sflag:s23] =	ssyncset.done $0x0  }
0xf1: {  	s11 =	simm.s32 $0x0;
	[sflag:s23] =	ssyncadd.s32 $0xFFFFFE70  }
0xf2: {  	v0 =	vld [tilespmem:s11+$0x4B0]  }
0xf3: {  	s3 =	simm.s32 $0x40  }
.LBB2_17:
0xf4: {  	p0 =	sne.s32 s3, $0x600  }
.Ltmp7:
0xf5: {  	_ = 	snop;
	(pc) =	sbr.rel @p0 .LBB2_17-.Ltmp7, $4  }
0xf6: {  	_ = 	snop  }
0xf7: {  	s16 =	sshra.s32 s3, $0x2;
	s3 =	sadd.s32 $0x40, s3;
	vm0 =	vlt.s32 v0, $0x2710  }
0xf8: {  	v1 =	vnsel vm0, $0xFFFFFFFF, v0;
	v0 =	vld [tilespmem:s16+$0x4B0]  }
0xf9: {  	[tilespmem:s11+$0xAF0] =	vst v1;
	s11 =	smov.u32 s16  }
0xfa: {  	_ =	sdelay $0x2  }
0xfb: {  	vm0 =	vlt.s32 v0, $0x2710  }
0xfc: {  	v0 =	vnsel vm0, $0xFFFFFFFF, v0  }
0xfd: {  	[tilespmem:s11+$0xAF0] =	vst v0  }
0xfe: {  	[tilespmem:s13], [sflag:$0x4] =	stream.indirect.gather [hbm4b:s6+s24], $0x40, s12, s24, $0xb8;
	[tilespmem:$0x19C80] =	vst v63  }
0xff: {  	_ =	swait.ge [sflag:s14], $0x6400  }
0x100: {  	s3 =	simm.s32 $0x960;
	s30 =	smul.u32 $0x640, s10;
	[sflag:s14] =	ssyncset.done $0x0  }
0x101: {  	s11 =	smul.u32 $0x3200, s10;
	[sflag:s14] =	ssyncadd.s32 $0xFFFF9C00;
	(ifvalue) =	ssetifvalue $0xFFFFFFFF  }
0x102: {  	[tilespmem:s31], [sflag:$0x7] =	stream.indirect.gather.add.f32 [hbm:s7], $0x40, s3, s24, $0x40b8;
	[tilespmem:$0x19C80] =	vst v63  }
0x103: {  	s16 =	simm.s32 $0x0;
	s21 =	sadd.s32 $0x1, s21;
	_ =	swait.ge [sflag:s8], $0x6400  }
0x104: {  	p0 =	sne.s32 s21, $0x10;
	s17 =	sshrl.u32 s11, $0x3;
	[sflag:s8] =	ssyncset.done $0x0  }
.Ltmp8:
0x105: {  	s3 =	sadd.s32 s2, s30;
	[sflag:s8] =	ssyncadd.s32 $0xFFFF9C00;
	(pc) =	sbr.rel @p0 .LBB2_10-.Ltmp8, $4  }
0x106: {  	[hbm4b:s3+s16] =	stream.linear.scatter [tilespmem:s26], [sflag:$0xA], $0x3200, $0x38;
	[tilespmem:$0x19C80] =	vst v63  }
0x107: {  	s3 =	sadd.s32 s2, s17  }
0x108: {  	s30 =	simm.s32 $0xA280;
	s3 =	sadd.s32 $0x640, s3  }
0x109: {  	[hbm4b:s3+s16] =	stream.linear.scatter [tilespmem:s30], [sflag:$0xA], $0x3200, $0x38;
	[tilespmem:$0x19C80] =	vst v63  }
0x10a: {  	_ =	swait.ge [sflag:s20], $0x6400  }
0x10b: {  	[sflag:s20] =	ssyncset.done $0x0  }
0x10c: {  	s3 =	simm.s32 $0xAF0;
	[sflag:s20] =	ssyncadd.s32 $0xFFFF9C00;
	(ifvalue) =	ssetifvalue $0xFFFFFFFF  }
0x10d: {  	[tilespmem:s13], [sflag:$0x8] =	stream.indirect.gather.add.f32 [hbm:s7], $0x40, s3, s24, $0x40b8;
	[tilespmem:$0x19C80] =	vst v63  }
0x10e: {  	_ =	swait.ge [sflag:s22], $0x6400  }
0x10f: {  	[sflag:s22] =	ssyncset.done $0x0  }
0x110: {  	s21 =	rddreg [dreg:$0xd];
	[sflag:s22] =	ssyncadd.s32 $0xFFFF9C00  }
0x111: {  	[hbm4b:s21+s16] =	stream.linear.scatter [tilespmem:s31], [sflag:$0xB], $0x3200, $0x38;
	[tilespmem:$0x19C80] =	vst v63  }
0x112: {  	s10 =	simm.s32 $0x10680;
	s30 =	rddreg [dreg:$0xe]  }
0x113: {  	[hbm4b:s30+s16] =	stream.linear.scatter [tilespmem:s10], [sflag:$0xB], $0x3200, $0x38;
	[tilespmem:$0x19C80] =	vst v63  }
0x114: {  	_ =	swait.ge [sflag:s1], $0x6400  }
0x115: {  	[sflag:s1] =	ssyncset.done $0x0  }
0x116: {  	s10 =	rddreg [dreg:$0xf];
	[sflag:s1] =	ssyncadd.s32 $0xFFFF9C00  }
0x117: {  	[hbm4b:s10+s16] =	stream.linear.scatter [tilespmem:s13], [sflag:$0xC], $0x3200, $0x38;
	[tilespmem:$0x19C80] =	vst v63  }
0x118: {  	s17 =	simm.s32 $0x16A80;
	s11 =	rddreg [dreg:$0x10]  }
0x119: {  	[hbm4b:s11+s16] =	stream.linear.scatter [tilespmem:s17], [sflag:$0xC], $0x3200, $0x38;
	[tilespmem:$0x19C80] =	vst v63  }
0x11a: {  	_ =	swait.ge [sflag:s19], $0x3200  }
0x11b: {  	[sflag:s19] =	ssyncset.done $0x0  }
0x11c: {  	[sflag:s19] =	ssyncadd.s32 $0xFFFFCE00  }
0x11d: {  	_ =	swait.ge [sflag:s19], $0x3200  }
0x11e: {  	[sflag:s19] =	ssyncset.done $0x0  }
0x11f: {  	[sflag:s19] =	ssyncadd.s32 $0xFFFFCE00  }
0x120: {  	_ =	swait.ge [sflag:s29], $0x3200  }
0x121: {  	[sflag:s29] =	ssyncset.done $0x0  }
0x122: {  	[sflag:s29] =	ssyncadd.s32 $0xFFFFCE00  }
0x123: {  	_ =	swait.ge [sflag:s29], $0x3200  }
0x124: {  	[sflag:s29] =	ssyncset.done $0x0  }
0x125: {  	[sflag:s29] =	ssyncadd.s32 $0xFFFFCE00  }
0x126: {  	_ =	swait.ge [sflag:s15], $0x3200  }
0x127: {  	[sflag:s15] =	ssyncset.done $0x0  }
0x128: {  	[sflag:s15] =	ssyncadd.s32 $0xFFFFCE00  }
0x129: {  	_ =	swait.ge [sflag:s15], $0x3200  }
0x12a: {  	[sflag:s15] =	ssyncset.done $0x0  }
0x12b: {  	[sflag:s15] =	ssyncadd.s32 $0xFFFFCE00  }
0x12c: {  	_ =	swait.ge [sflag:s18], $0x3200  }
0x12d: {  	[sflag:s18] =	ssyncset.done $0x0  }
0x12e: {  	[sflag:s18] =	ssyncadd.s32 $0xFFFFCE00  }
0x12f: {  	_ =	swait.ge [sflag:s18], $0x3200  }
0x130: {  	s21 =	rddreg [dreg:$0x12]  }
0x131: {  	s30 =	rddreg [dreg:$0x11];
	s10 =	sadd.s32 $0x1, s21  }
0x132: {  	p0 =	sne.s32 s10, s30  }
.Ltmp9:
0x133: {  	_ = 	snop;
	(pc) =	sbr.rel @p0 .LBB2_1-.Ltmp9, $3  }
0x134: {  	_ =	sdelay $0x1  }
0x135: {  	[sflag:s18] =	ssyncset.done $0x0  }
0x136: {  	[sflag:s18] =	ssyncadd.s32 $0xFFFFCE00  }
0x137: {  	_ =	sfence.sel $0x180000  }
0x138: {  	[bflag:$0x0] =	sbarrier.arrive $0xFFFF  }
0x139: {  	_ =	strace $0x90000047  }
0x13a: {  	s0 =	stileid.u32;
	[bflag:$0x2] =	sbarrier.arrive $0xFFFF  }
0x13b: {  	p0 =	sne.s32 s0, $0x0;
	s0 =	rddreg [dreg:$0x2]  }
0x13c: {  	s0 =	sadd.s32 @!p0 $0x100000, s0  }
0x13d: {  	[sflag:s0] =	ssyncadd.tile.s32 @!p0 $0x1;
	_ =	shalt  }
.Lfunc_end2:
_tile_overlayer_lowered:
.L_overlay_start_2:
0x13e: {  	(tag) =	ssettag $0x2  }
0x13f: {  	s0 =	rddreg [dreg:$0x0];
	s2 =	stileid.u32  }
0x140: {  	s1 =	rddreg [dreg:$0x1];
	p0 =	sne.s32 s2, $0x0  }
0x141: {  	s3 =	rddreg [dreg:$0x2];
	[bflag:$0x3] =	sbarrier.arrive $0xFFFF;
	s2 =	simm.s32 @!p0 $0x1C0D  }
0x142: {  	[timem:s3], [sflag:s2] =	dma.local @!p0 [hbm:s0], s1  }
0x143: {  	s0 =	simm.s32 @!p0 $0xD  }
0x144: {  	_ =	swait.ge @!p0 [sflag:s0], s1  }
0x145: {  	s1 =	ssub.s32 @!p0 $0x0, s1;
	[sflag:s0] =	ssyncset.done @!p0 $0x0  }
0x146: {  	[sflag:s0] =	ssyncadd.s32 @!p0 s1  }
0x147: {  	[bflag:$0x3] =	sbarrier.arrive $0xFFFF  }
0x148: {  	_ =	shalt  }

// kernel: sparse-core-data-format-call.cloned.1.call-start
scs
called_computation_lowered:
.L_overlay_start_0:
0x0: {  	s2 =	sld [smem:$0x3FD9]  }
0x1: {  	s3 =	sld [smem:$0x3FFE];
	_ =	sdelay $0x1  }
0x2: {  	s1 =	srdreg.scid  }
0x3: {  	s0 =	sand.u32 $0x1, s1  }
0x4: {  	s18 =	sshll.u32 s0, $0xA;
	s2 =	sadd.s32 s3, s2  }
0x5: {  	s2 =	sadd.s32 s2, s18  }
0x6: {  	[smem:$0x3FC0] =	sst s2  }
0x7: {  	_ = 	snop  }
0x8: {  	s2 =	sld [smem:$0x3FD0];
	(tm) =	ssettm $0x1  }
0x9: {  	s19 =	sld [smem:$0x3FFB];
	_ =	sdelay $0x3  }
0xa: {  	_ =	strace s19  }
0xb: {  	s3 =	sld [smem:$0x3FFC];
	_ =	sdelay $0x3  }
0xc: {  	_ =	strace s3  }
0xd: {  	s3 =	sld [smem:$0x3FFD];
	_ =	sdelay $0x3  }
0xe: {  	_ =	strace s3  }
0xf: {  	_ =	strace $0x8FFFFFFF  }
0x10: {  	s20 =	sld [smem:$0x3FDB];
	_ =	sdelay $0x1  }
0x11: {  	s4 =	simm.s32 $_scs_section_size  }
0x12: {  	s5 =	simm.s32 $_size__tile_overlayer_lowered;
	s6 =	simm.s32 $_tile_overlayer_lowered  }
0x13: {  	s23 =	simm.s32 $0x1BFF;
	s22 =	sshll.u32 s6, $0x1;
	s3 =	sadd.s32 s4, s20  }
0x14: {  	s7 =	simm.s32 $0x0;
	s21 =	sshll.u32 s5, $0x1;
	s5 =	sadd.s32 s22, s3  }
0x15: {  	[timem:s7], [sflag:s23] =	dma.local [hbm:s5], s21  }
0x16: {  	_ =	swait.ge [sflag:s23], s21  }
0x17: {  	s4 =	ssub.s32 $0x0, s21;
	[sflag:s23] =	ssyncset.done $0x0  }
0x18: {  	[sflag:s23] =	ssyncadd.s32 s4;
	_ =	sdelay $0x1  }
0x19: {  	s24 =	simm.s32 $0x1B8B  }
0x1a: {  	_ =	swait.ge [sflag:s24], $0x1  }
0x1b: {  	[sflag:s24] =	ssyncset.done $0x0  }
0x1c: {  	s26 =	simm.s32 $0x1B8E;
	s25 =	sld [smem:$0x3FFE];
	[sflag:s24] =	ssyncadd.s32 $0xFFFFFFFF  }
0x1d: {  	s27 =	simm.s32 $execute0_lowered;
	[smem:$0x3FD2] =	sst s26  }
0x1e: {  	s5 =	sshll.u32 s27, $0x1;
	_ =	strace $0x80000049;
	[dreg:$0x1] =	wrdreg $0xFFFFFFFF  }
0x1f: {  	s28 =	simm.s32 $_size_execute0_lowered;
	s3 =	sadd.s32 s3, s5;
	[dreg:$0x0] =	wrdreg $0x0  }
0x20: {  	s5 =	sshll.u32 s28, $0x1;
	[dreg:$0x2] =	wrdreg s3  }
0x21: {  	[dreg:$0x3] =	wrdreg s5  }
0x22: {  	[dreg:$0x4] =	wrdreg $0xC0  }
0x23: {  	_ =	task [dreg:s7], $0x5FFFF  }
0x24: {  	[dreg:$0x1] =	wrdreg $0xFFFFFFFF  }
0x25: {  	[dreg:$0x0] =	wrdreg $0x60  }
0x26: {  	[dreg:$0x2] =	wrdreg s25  }
0x27: {  	[dreg:$0x3] =	wrdreg s2  }
0x28: {  	[dreg:$0x4] =	wrdreg $0x9  }
0x29: {  	_ =	task.clear_ibuf [dreg:s7], $0x5FFFF;
	_ =	strace $0x90000049  }
0x2a: {  	s29 =	simm.s32 $0x9;
	_ =	strace $0x8000004B  }
0x2b: {  	_ =	swait.ge [sflag:s29], $0x1  }
0x2c: {  	[sflag:s29] =	ssyncadd.s32 $0xFFFFFFFF  }
0x2d: {  	_ =	strace $0x9000004B  }
0x2e: {  	_ =	sfence  }
0x2f: {  	s30 =	sld [smem:$0x0];
	_ =	sdelay $0x2  }
0x30: {  	s31 =	sshll.u32 s1, $0xD;
	s1 =	sshrl.u32 s1, $0x2  }
0x31: {  	s3 =	sand.u32 $0x4000, s31;
	s1 =	sadd.s32 s1, s30  }
0x32: {  	s0 =	sor.u32 s3, s0;
	s1 =	sshll.u32 s1, $0x11  }
0x33: {  	s0 =	sor.u32 s1, s0  }
0x34: {  	s0 =	sadd.s32 $0x8F2B, s0  }
0x35: {  	[sflag:s0] =	ssyncadd.remote.s32 $0x1  }
0x36: {  	_ =	sfence.sel $0xFFFF  }
0x37: {  	[dreg:$0x0] =	wrdreg $0xFFFFFFFF;
	(pc) =	sbr.abs _section_cstart, $3  }
0x38: {  	[dreg:$0x1] =	wrdreg $0xFFFFFFFF  }
0x39: {  	_ =	task.clear_ibuf [dreg:s7], $0x2FFFF;
	_ =	strace $0x9FFFFFFF  }
0x3a: {  	(tm) =	ssettm $0x7FFFFFFF  }
0x3b: {  	_ =	shalt  }
tec
execute0_lowered:
.L_overlay_start_1:
0x0: {  	(tag) =	ssettag $0x1  }
0x1: {  	s0 =	srdreg.scid  }
0x2: {  	s1 =	sshll.u32 s0, $0x4  }
0x3: {  	s0 =	stileid.u32;
	s1 =	sand.u32 $0x10, s1  }
0x4: {  	s1 =	sor.u32 s0, s1  }
0x5: {  	s6 =	rddreg [dreg:$0x0];
	s4 =	simm.s32 $0x1;
	s2 =	sshll.u32 s1, $0x7  }
0x6: {  	s7 =	simm.s32 $0x2;
	s12 =	simm.s32 $0x0;
	s1 =	ssub.s32 $0x1000, s2  }
0x7: {  	s8 =	simm.s32 $0x8000;
	s13 =	simm.s32 $0x0;
	s3 =	sand.u32 $0xF80, s1  }
0x8: {  	s9 =	simm.s32 $0x0;
	s5 =	sshrl.u32 s1, $0xC;
	p0 =	sne.s32 s3, $0x0  }
.Ltmp0:
0x9: {  	s1 =	rddreg [dreg:$0x2];
	s4 =	simm.s32 @!p0 $0x0;
	(pc) =	sbr.rel .LBB1_1-.Ltmp0, $4  }
0xa: {  	s11 =	simm.s32 $0x0;
	s3 =	rddreg [dreg:$0x1];
	s5 =	sadd.s32 s4, s5  }
0xb: {  	_ =	strace $0x8000004A;
	s4 =	simm.s32 $0x1;
	s5 =	smul.u32 $0xC8, s5  }
0xc: {  	s6 =	sadd.s32 $0x1600, s6;
	s10 =	smov.u32 s2;
	[sflag:s4] =	ssyncpa.u1 $0x0  }
0xd: {  	p0 =	por $0x0, $0x0;
	[sflag:s7] =	ssyncpa.u1 $0x0;
	s7 =	sor.u32 $0x1, s5  }
.LBB1_4:
0xe: {  	s16 =	sshll.u32 s13, $0x3;
	s17 =	sand.u32 $0x78, s13  }
0xf: {  	s30 =	sand.u32 $0x7E00, s13;
	s12 =	sshll.u32 s12, $0xF;
	s16 =	sand.u32 $0xC00, s16  }
0x10: {  	[tilespmem:s15+$0x810 ss:$0x81] =	vst.msk $0xffff, v2;
	s31 =	sand.u32 $0x7, s13;
	s16 =	sor.u32 s17, s16;
	s17 =	sadd.s32 s3, s30  }
0x11: {  	[tilespmem:s15+$0x1020 ss:$0x81] =	vst.msk $0xffff, v0;
	s13 =	sshll.u32 s31, $0x12;
	s12 =	sadd.s32 s12, s17;
	s16 =	sshrl.u32 s16, $0x3  }
0x12: {  	[tilespmem:s15+$0x0 ss:$0x81] =	vst.msk $0xffff, v1;
	s13 =	sor.u32 $0x400, s13;
	s12 =	sadd.s32 s16, s12  }
0x13: {  	[hbm4b:s12+s13] =	stream.strided.scatter [tilespmem:s14], [sflag:$0x2], $0x2000, s8, s13, $0x20;
	[tilespmem:$0x8080] =	vst v63  }
.LBB1_5:
0x14: {  	s14 =	sadd.s32 $0x1, s9  }
0x15: {  	s12 =	sadd.s32 $0x1000, s10;
	s16 =	smov.u32 s10;
	p2 =	sgt.s32 s14, $0xC7  }
0x16: {  	s16 =	smov.u32 @p2 s12  }
0x17: {  	s14 =	simm.s32 @p2 $0x0;
	p2 =	sgt.s32 s16, $0xFFF  }
0x18: {  	s16 =	smov.u32 @p2 s2;
	p2 =	sne.s32 s11, s7  }
.Ltmp1:
0x19: {  	p1 =	slt.u32 s11, $0x2;
	(pc) =	sbr.rel @!p2 .LBB1_6-.Ltmp1, $4  }
0x1a: {  	s15 =	simm.s32 @!p1 $0x2  }
0x1b: {  	s13 =	smov.u32 s10;
	p0 =	por !p0, !p0;
	_ =	swait.ge @!p1 [sflag:s15], $0x2000  }
0x1c: {  	s12 =	smov.u32 s9;
	[sflag:s15] =	ssyncset.done @!p1 $0x0;
	s9 =	smov.u32 s14  }
0x1d: {  	s11 =	sadd.s32 $0x1, s11;
	[sflag:s15] =	ssyncadd.s32 @!p1 $0xFFFFE000;
	s10 =	smov.u32 s16  }
.LBB1_1:
0x1e: {  	p1 =	sge.u32 s11, s5  }
0x1f: {  	s14 =	sand.u32 @!p1 $0x1FFFFFF, s9  }
0x20: {  	s15 =	smulhi.u32 @!p1 $0x147AE15, s14;
	_ =	sdelay $0x1  }
0x21: {  	s15 =	smul.u32 @!p1 $0xC8, s15  }
0x22: {  	s16 =	sxor.u32 @!p1 $0xFFFFFFFF, s11;
	s17 =	smul.u32 @!p1 $0xC80, s10  }
0x23: {  	s31 =	sadd.s32 $0xFFFFFFFF, s11;
	s16 =	sshll.u32 @!p1 s16, $0xD;
	s14 =	ssub.s32 @!p1 s14, s15  }
0x24: {  	s15 =	sand.u32 @!p1 $0x2000, s16;
	s16 =	sadd.s32 @!p1 s6, s17;
	s14 =	sshll.u32 @!p1 s14, $0x4  }
0x25: {  	s17 =	simm.s32 @!p1 $0x6400;
	s14 =	sadd.s32 @!p1 s14, s16;
	s16 =	simm.s32 @!p1 $0x40  }
0x26: {  	[tilespmem:s15], [sflag:$0x1] =	stream.strided.gather @!p1 [hbm4b:s14+s16], $0x2000, s17, s16, $0x38;
	[tilespmem:$0x8080] =	vst v63  }
0x27: {  	p1 =	sge.u32 s31, s5  }
.Ltmp2:
0x28: {  	_ = 	snop;
	(pc) =	sbr.rel @p1 .LBB1_5-.Ltmp2, $1  }
0x29: {  	_ =	sdelay $0x3  }
0x2a: {  	s14 =	simm.s32 $0x1  }
0x2b: {  	_ =	swait.ge [sflag:s4], $0x2000;
	s14 =	simm.s32 @!p0 $0x0  }
0x2c: {  	[sflag:s4] =	ssyncset.done $0x0;
	s15 =	sshll.u32 s14, $0xD  }
0x2d: {  	[sflag:s4] =	ssyncadd.s32 $0xFFFFE000;
	s18 =	sor.u32 $0x20, s15  }
0x2e: {  	s14 =	smul.u32 $0x8100, s14;
	v3 =	vld [tilespmem:s18+$0x10]  }
0x2f: {  	s30 =	sand.u32 $0x1, s11;
	v2 =	vld [tilespmem:s18+$0xFFFFFFF0]  }
0x30: {  	s15 =	smul.u32 $0x8100, s30;
	s14 =	sshrl.u32 s14, $0x2;
	v0 =	vld [tilespmem:s18+$0x0]  }
0x31: {  	v1 =	vld [tilespmem:s18+$0xFFFFFFE0];
	s16 =	sor.u32 $0x4000, s14  }
0x32: {  	s31 =	sshrl.u32 s15, $0x2;
	s15 =	sadd.s32 $0x0, s16  }
0x33: {  	s17 =	simm.s32 $0x4;
	s18 =	sadd.s32 $0x40, s18;
	s14 =	sor.u32 $0x4000, s31;
	[tilespmem:s15+$0x1830 ss:$0x81] =	vst.msk $0xffff, v3  }
.LBB1_3:
0x34: {  	v3 =	vld [tilespmem:s18+$0x10];
	p1 =	sne.s32 s17, $0x1FC;
	[tilespmem:s15+$0x810 ss:$0x81] =	vst.msk $0xffff, v2;
	s19 =	smov.u32 s17;
	s17 =	sadd.s32 $0x4, s17  }
.Ltmp3:
0x35: {  	v2 =	vld [tilespmem:s18+$0xFFFFFFF0];
	[tilespmem:s15+$0x1020 ss:$0x81] =	vst.msk $0xffff, v0;
	(pc) =	sbr.rel @p1 .LBB1_3-.Ltmp3, $4  }
0x36: {  	v0 =	vld [tilespmem:s18+$0x0];
	[tilespmem:s15+$0x0 ss:$0x81] =	vst.msk $0xffff, v1  }
0x37: {  	s15 =	sshra.s32 s19, $0x2;
	v1 =	vld [tilespmem:s18+$0xFFFFFFE0]  }
0x38: {  	s15 =	sadd.s32 s15, s16  }
0x39: {  	s18 =	sadd.s32 $0x40, s18;
	[tilespmem:s15+$0x1830 ss:$0x81] =	vst.msk $0xffff, v3  }
.Ltmp4:
0x3a: {  	_ = 	snop;
	(pc) =	sbr.rel .LBB1_4-.Ltmp4, $1  }
0x3b: {  	_ =	sdelay $0x3  }
.LBB1_6:
0x3c: {  	_ =	sfence.sel $0x180000  }
0x3d: {  	s2 =	simm.s32 $0x1;
	[bflag:$0x0] =	sbarrier.arrive $0xFFFF  }
0x3e: {  	s31 =	simm.s32 $0x2;
	[sflag:s2] =	ssyncpa.u1 $0x1  }
0x3f: {  	[sflag:s31] =	ssyncpa.u1 $0x1  }
0x40: {  	p0 =	sne.s32 s0, $0x0;
	_ =	strace $0x9000004A  }
0x41: {  	s0 =	sadd.s32 @!p0 $0x100000, s1;
	[bflag:$0x2] =	sbarrier.arrive $0xFFFF  }
0x42: {  	[sflag:s0] =	ssyncadd.tile.s32 @!p0 $0x1;
	_ =	shalt  }
.Lfunc_end1:
_tile_overlayer_lowered:
.L_overlay_start_2:
0x43: {  	(tag) =	ssettag $0x2  }
0x44: {  	s0 =	rddreg [dreg:$0x0];
	s2 =	stileid.u32  }
0x45: {  	s1 =	rddreg [dreg:$0x1];
	p0 =	sne.s32 s2, $0x0  }
0x46: {  	s3 =	rddreg [dreg:$0x2];
	[bflag:$0x3] =	sbarrier.arrive $0xFFFF;
	s2 =	simm.s32 @!p0 $0x1C01  }
0x47: {  	[timem:s3], [sflag:s2] =	dma.local @!p0 [hbm:s0], s1  }
0x48: {  	s0 =	simm.s32 @!p0 $0x1  }
0x49: {  	_ =	swait.ge @!p0 [sflag:s0], s1  }
0x4a: {  	s1 =	ssub.s32 @!p0 $0x0, s1;
	[sflag:s0] =	ssyncset.done @!p0 $0x0  }
0x4b: {  	[sflag:s0] =	ssyncadd.s32 @!p0 s1  }
0x4c: {  	[bflag:$0x3] =	sbarrier.arrive $0xFFFF  }
0x4d: {  	_ =	shalt  }

</sc_bundles>
